<compile_context>
chip_gen: v7x
topology: tpu7x:2x2x1
jax: 0.10.2.dev20260603
libtpu: 0.0.44.dev20260713+nightly
codegen_flags: <defaults>
</compile_context>

<pallas_src>
import functools

import jax
import jax.numpy as jnp
from jax import lax
from jax.experimental import pallas as pl
from jax.experimental.pallas import tpu as pltpu
from jax.experimental.pallas import tpu_sc as plsc

N = 10000
D = 128
DH = D // 2
E = 320000

NC = 2
NS = 16
NW = NC * NS
EPW = E // NW
CHUNK = 125
NCH = EPW // CHUNK
EPT = E // NS
NCH2 = EPT // CHUNK
NPD = 10240
DEG_PT = NPD // NS
RC = 128
RCH = DEG_PT // RC

_mesh = plsc.VectorSubcoreMesh(
    core_axis_name="c", subcore_axis_name="s", num_cores=NC, num_subcores=NS)


def _deg_body(dst_hbm, zeros_hbm, deg_out, idx_d, ones_v, zbuf, dbuf, deg_sh):
    cid = lax.axis_index("c")
    tid = lax.axis_index("s")
    w = cid * NS + tid

    def fill_ones(i, _):
        ones_v[pl.ds(i * 16, 16)] = jnp.full((16,), 1.0, jnp.float32)
        return 0
    lax.fori_loop(0, 8, fill_ones, 0)

    pltpu.sync_copy(dst_hbm.at[w], idx_d)
    pltpu.sync_copy(zeros_hbm, zbuf)
    pltpu.sync_copy(zbuf, deg_sh.at[pl.ds(tid * DEG_PT, DEG_PT)])
    plsc.subcore_barrier()

    def step(c, _):
        pltpu.sync_copy(ones_v.at[pl.ds(0, CHUNK)],
                        deg_sh.at[idx_d.at[c]], add=True)
        return 0
    lax.fori_loop(0, NCH, step, 0)
    plsc.subcore_barrier()

    pltpu.sync_copy(deg_sh.at[pl.ds(tid * DEG_PT, DEG_PT)], dbuf)
    pltpu.sync_copy(dbuf, deg_out.at[cid].at[pl.ds(tid * DEG_PT, DEG_PT)])


_deg_kernel = functools.partial(
    pl.kernel,
    out_type=jax.ShapeDtypeStruct((NC, NPD), jnp.float32),
    mesh=_mesh,
    scratch_types=[
        pltpu.VMEM((NCH, CHUNK), jnp.int32),
        pltpu.VMEM((128,), jnp.float32),
        pltpu.VMEM((DEG_PT,), jnp.float32),
        pltpu.VMEM((DEG_PT,), jnp.float32),
        pltpu.VMEM_SHARED((NPD,), jnp.float32),
    ],
)(_deg_body)


def _mm_body(x_ref, w_ref, d0_ref, d1_ref, z_ref, dinv_ref):
    deg = d0_ref[...] + d1_ref[...] + 1.0
    dinv = lax.rsqrt(deg)
    xw = jnp.dot(x_ref[...], w_ref[...], preferred_element_type=jnp.float32)
    z = xw * dinv
    z_ref[0] = z[:, :DH]
    z_ref[1] = z[:, DH:]
    dinv_ref[...] = dinv


_BM = 2000


def _mm(x, W, d0, d1):
    return pl.pallas_call(
        _mm_body,
        grid=(N // _BM,),
        in_specs=[
            pl.BlockSpec((_BM, D), lambda i: (i, 0)),
            pl.BlockSpec((D, D), lambda i: (0, 0)),
            pl.BlockSpec((_BM, 1), lambda i: (i, 0)),
            pl.BlockSpec((_BM, 1), lambda i: (i, 0)),
        ],
        out_specs=[
            pl.BlockSpec((NC, _BM, DH), lambda i: (0, i, 0)),
            pl.BlockSpec((_BM, 1), lambda i: (i, 0)),
        ],
        out_shape=[
            jax.ShapeDtypeStruct((NC, N, DH), jnp.float32),
            jax.ShapeDtypeStruct((N, 1), jnp.float32),
        ],
    )(x, W, d0, d1)


def _scat_body(src_hbm, dst_hbm, z_hbm, zrows_hbm, acc_out,
               idx_s, idx_d, rows_a, rows_b, rows_c, rows_d, zbuf, acc_sh,
               sem_a, sem_b, sem_c, sem_d):
    cid = lax.axis_index("c")
    tid = lax.axis_index("s")

    pltpu.sync_copy(src_hbm.at[tid], idx_s)
    pltpu.sync_copy(dst_hbm.at[tid], idx_d)
    pltpu.sync_copy(zrows_hbm, zbuf)

    def init_step(r, _):
        pltpu.sync_copy(zbuf, acc_sh.at[pl.ds(tid * DEG_PT + r * RC, RC)])
        return 0
    lax.fori_loop(0, RCH, init_step, 0)
    plsc.subcore_barrier()

    zsc = z_hbm.at[cid]
    bufs = (rows_a, rows_b, rows_c, rows_d)
    sems = (sem_a, sem_b, sem_c, sem_d)
    NB = 4
    for j in range(NB):
        pltpu.async_copy(zsc.at[idx_s.at[j]], bufs[j], sems[j])

    def quad(i, _):
        base = NB * i
        for j in range(NB):
            c = base + j
            pltpu.make_async_copy(zsc.at[idx_s.at[c]], bufs[j], sems[j]).wait()
            pltpu.sync_copy(bufs[j], acc_sh.at[idx_d.at[c]], add=True)

            @pl.when(c + NB < NCH2)
            def _():
                pltpu.async_copy(zsc.at[idx_s.at[c + NB]], bufs[j], sems[j])
        return 0
    lax.fori_loop(0, NCH2 // NB, quad, 0)
    plsc.subcore_barrier()

    def out_step(r, _):
        base = tid * DEG_PT + r * RC
        pltpu.sync_copy(acc_sh.at[pl.ds(base, RC)], zbuf)
        pltpu.sync_copy(zbuf, acc_out.at[cid].at[pl.ds(base, RC)])
        return 0
    lax.fori_loop(0, RCH, out_step, 0)


_scat_kernel = functools.partial(
    pl.kernel,
    out_type=jax.ShapeDtypeStruct((NC, NPD, DH), jnp.float32),
    mesh=_mesh,
    scratch_types=[
        pltpu.VMEM((NCH2, CHUNK), jnp.int32),
        pltpu.VMEM((NCH2, CHUNK), jnp.int32),
        pltpu.VMEM((CHUNK, DH), jnp.float32),
        pltpu.VMEM((CHUNK, DH), jnp.float32),
        pltpu.VMEM((CHUNK, DH), jnp.float32),
        pltpu.VMEM((CHUNK, DH), jnp.float32),
        pltpu.VMEM((RC, DH), jnp.float32),
        pltpu.VMEM_SHARED((NPD, DH), jnp.float32),
        pltpu.SemaphoreType.DMA,
        pltpu.SemaphoreType.DMA,
        pltpu.SemaphoreType.DMA,
        pltpu.SemaphoreType.DMA,
    ],
    compiler_params=pltpu.CompilerParams(use_tc_tiling_on_sc=False),
)(_scat_body)


def _out_body(a_ref, z_ref, dinv_ref, b_ref, o_ref):
    a = jnp.concatenate([a_ref[0], a_ref[1]], axis=1)
    z = jnp.concatenate([z_ref[0], z_ref[1]], axis=1)
    o_ref[...] = (a + z) * dinv_ref[...] + b_ref[...]


def _combine(acc, z, dinv, b2):
    return pl.pallas_call(
        _out_body,
        grid=(N // _BM,),
        in_specs=[
            pl.BlockSpec((NC, _BM, DH), lambda i: (0, i, 0)),
            pl.BlockSpec((NC, _BM, DH), lambda i: (0, i, 0)),
            pl.BlockSpec((_BM, 1), lambda i: (i, 0)),
            pl.BlockSpec((1, D), lambda i: (0, 0)),
        ],
        out_specs=pl.BlockSpec((_BM, D), lambda i: (i, 0)),
        out_shape=jax.ShapeDtypeStruct((N, D), jnp.float32),
    )(acc, z, dinv, b2)


def kernel(x, edge_index, W, b):
    ei = edge_index.astype(jnp.int32)
    src_deg = ei[0].reshape(NW, NCH, CHUNK)
    dst_deg = ei[1].reshape(NW, NCH, CHUNK)
    src_sc = ei[0].reshape(NS, NCH2, CHUNK)
    dst_sc = ei[1].reshape(NS, NCH2, CHUNK)
    zeros_deg = jnp.zeros((DEG_PT,), jnp.float32)
    zeros_rows = jnp.zeros((RC, DH), jnp.float32)

    deg_p = _deg_kernel(dst_deg, zeros_deg)
    d0 = deg_p[0, :N].reshape(N, 1)
    d1 = deg_p[1, :N].reshape(N, 1)

    z, dinv = _mm(x, W, d0, d1)

    acc = _scat_kernel(src_sc, dst_sc, z, zeros_rows)

    out = _combine(acc, z, dinv, b.reshape(1, D))
    return out

# --- scband reference (transcript-rebuilt; emitter-appended) ---
"""Pipeline reference for scband-gcnlayer-20547123544324 (READ-ONLY COPY).

The authoritative reference and input builder live on the scoring server;
editing this copy changes nothing except your own understanding.
"""

import jax, jax.numpy as jnp
import numpy as np

N_NODES = 10000
N_EDGES = 320000
D_IN = 128
D_OUT = 128

def setup_inputs(seed: int = 0) -> dict:
    key = jax.random.key(seed)
    k1, k2, k3, k4 = jax.random.split(key, 4)
    x = jax.random.normal(k1, (N_NODES, D_IN), dtype=jnp.float32)
    edge_index = jax.random.randint(k2, (2, N_EDGES), 0, N_NODES, dtype=jnp.int64)
    # GCNConv params: lin weight [in, out] (no lin bias), separate conv bias [out]
    W = jax.random.normal(k3, (D_IN, D_OUT), dtype=jnp.float32) * (1.0 / np.sqrt(D_IN))
    b = jnp.zeros((D_OUT,), dtype=jnp.float32)
    return {"x": x, "edge_index": edge_index, "W": W, "b": b}

def reference(x, edge_index, W, b):
    # Faithful PyG GCNConv: add self-loops, symmetric normalization D^-1/2 A D^-1/2,
    # linear transform, scatter-add aggregation to dst, plus bias.
    N = x.shape[0]
    src = edge_index[0]
    dst = edge_index[1]
    self_idx = jnp.arange(N, dtype=edge_index.dtype)
    row = jnp.concatenate([src, self_idx])  # source of each message
    col = jnp.concatenate([dst, self_idx])  # destination of each message
    # degree of destination nodes (edge weight 1 per edge incl. self-loop)
    ones = jnp.ones(row.shape[0], dtype=jnp.float32)
    deg = jnp.zeros((N,), dtype=jnp.float32).at[col].add(ones)
    deg_inv_sqrt = jnp.where(deg > 0, jax.lax.rsqrt(jnp.maximum(deg, 1e-12)), 0.0)
    norm = deg_inv_sqrt[row] * deg_inv_sqrt[col]
    xw = x @ W
    msg = xw[row] * norm[:, None]
    out = jnp.zeros((N, W.shape[1]), dtype=jnp.float32).at[col].add(msg)
    out = out + b
    return out

if __name__ == "__main__":
    import jax
    _d = setup_inputs()
    print(jax.jit(kernel)(*tuple(_d.values())))

</pallas_src>

<mosaic_0001>
#map = affine_map<(d0, d1) -> (0, 0, 0)>
#map1 = affine_map<(d0, d1) -> (0)>
#map2 = affine_map<(d0, d1) -> (0, 0)>
module attributes {stable_mosaic.version = 14 : i64} {
  func.func @_deg_body(%arg0: i32, %arg1: i32, %arg2: memref<32x80x125xi32, #tpu.memory_space<hbm>>, %arg3: memref<640xf32, #tpu.memory_space<hbm>>, %arg4: memref<2x10240xf32, #tpu.memory_space<hbm>>, %arg5: memref<80x125xi32, #tpu.memory_space<vmem>>, %arg6: memref<128xf32, #tpu.memory_space<vmem>>, %arg7: memref<640xf32, #tpu.memory_space<vmem>>, %arg8: memref<640xf32, #tpu.memory_space<vmem>>, %arg9: memref<10240xf32, #tpu.memory_space<vmem_shared>>) attributes {dimension_semantics = [#tpu.dimension_semantics<core_parallel>, #tpu.dimension_semantics<subcore_parallel>], iteration_bounds = array<i64: 2, 16>, scalar_prefetch = 0 : i64, scratch_operands = 5 : i64, tpu.core_type = #tpu.core_type<sc_vector_subcore>, window_params = [{transform_indices = #map}, {transform_indices = #map1}, {transform_indices = #map2}]} {
    %mul3A = arith.constant 16 : i32
    %mul3A_0 = arith.muli %arg0, %mul3A : i32
    %add3A = arith.addi %mul3A_0, %arg1 : i32
    %scan3A = arith.constant 0 : i32
    %scan3A_1 = arith.constant 0 : i32
    %scan3A_2 = arith.constant 8 : i32
    %scan3A_3 = arith.addi %scan3A_1, %scan3A_2 : i32
    %scan3A_4 = arith.constant 1 : i32
    %scan3A_5 = scf.for %scan3A_21 = %scan3A_1 to %scan3A_3 step %scan3A_4 iter_args(%scan3A_22 = %scan3A) -> (i32)  : i32 {
      %broadcast_in_dim3A = arith.constant 1.000000e+00 : f32
      %broadcast_in_dim3A_23 = vector.broadcast %broadcast_in_dim3A : f32 to vector<16xf32>
      %mul3A_24 = arith.constant 16 : i32
      %mul3A_25 = arith.muli %scan3A_21, %mul3A_24 : i32
      %swap3A = arith.index_cast %mul3A_25 : i32 to index
      %swap3A_26 = tpu.vector_load %arg6[%swap3A] {strides = array<i32>} : memref<128xf32, #tpu.memory_space<vmem>>, vector<16xf32>,
      %swap3A_27 = vector.shape_cast %swap3A_26 : vector<16xf32> to vector<16xf32>
      %swap3A_28 = vector.shape_cast %broadcast_in_dim3A_23 : vector<16xf32> to vector<16xf32>
      tpu.vector_store %arg6[%swap3A], %swap3A_28 {strides = array<i32>} : memref<128xf32, #tpu.memory_space<vmem>>, vector<16xf32>,
      %scan3A_29 = arith.constant 0 : i32
      scf.yield %scan3A_29 : i32
    }
    %scan3A_6 = arith.constant 8 : i32
    "tpu.region"() ({
      %run_scoped3A = tpu.sem_alloc : memref<!tpu.dma_semaphore, #tpu.memory_space<semaphore_mem>>
      %dma_start3A = arith.constant 0 : i32
      %dma_start3A_21 = arith.constant 0 : i32
      %dma_start3A_22 = tpu.memref_slice %arg2[%add3A, %dma_start3A, %dma_start3A_21] : memref<32x80x125xi32, #tpu.memory_space<hbm>> -> memref<1x80x125xi32, #tpu.memory_space<hbm>>
      %dma_start3A_23 = tpu.memref_squeeze %dma_start3A_22 : memref<1x80x125xi32, #tpu.memory_space<hbm>> -> memref<80x125xi32, #tpu.memory_space<hbm>>
      %dma_start3A_24 = arith.constant 0 : i32
      %dma_start3A_25 = arith.constant 0 : i32
      %dma_start3A_26 = tpu.memref_slice %arg2[%add3A, %dma_start3A_24, %dma_start3A_25] : memref<32x80x125xi32, #tpu.memory_space<hbm>> -> memref<1x80x125xi32, #tpu.memory_space<hbm>>
      %dma_start3A_27 = tpu.memref_squeeze %dma_start3A_26 : memref<1x80x125xi32, #tpu.memory_space<hbm>> -> memref<80x125xi32, #tpu.memory_space<hbm>>
      tpu.enqueue_dma source(%dma_start3A_27 : memref<80x125xi32, #tpu.memory_space<hbm>>) target(%arg5 : memref<80x125xi32, #tpu.memory_space<vmem>>) target_semaphore(%run_scoped3A : memref<!tpu.dma_semaphore, #tpu.memory_space<semaphore_mem>>)
      %dma_wait3A = arith.constant 0 : i32
      %dma_wait3A_28 = arith.constant 0 : i32
      %dma_wait3A_29 = tpu.memref_slice %arg2[%add3A, %dma_wait3A, %dma_wait3A_28] : memref<32x80x125xi32, #tpu.memory_space<hbm>> -> memref<1x80x125xi32, #tpu.memory_space<hbm>>
      %dma_wait3A_30 = tpu.memref_squeeze %dma_wait3A_29 : memref<1x80x125xi32, #tpu.memory_space<hbm>> -> memref<80x125xi32, #tpu.memory_space<hbm>>
      %dma_wait3A_31 = arith.constant 0 : i32
      %dma_wait3A_32 = arith.constant 0 : i32
      %dma_wait3A_33 = tpu.memref_slice %arg2[%add3A, %dma_wait3A_31, %dma_wait3A_32] : memref<32x80x125xi32, #tpu.memory_space<hbm>> -> memref<1x80x125xi32, #tpu.memory_space<hbm>>
      %dma_wait3A_34 = tpu.memref_squeeze %dma_wait3A_33 : memref<1x80x125xi32, #tpu.memory_space<hbm>> -> memref<80x125xi32, #tpu.memory_space<hbm>>
      tpu.wait_dma2 semaphore(%run_scoped3A : memref<!tpu.dma_semaphore, #tpu.memory_space<semaphore_mem>>) src(%dma_wait3A_34 : memref<80x125xi32, #tpu.memory_space<hbm>>) dst(%arg5 : memref<80x125xi32, #tpu.memory_space<vmem>>)
      tpu.yield
    }) : () -> ()
    "tpu.region"() ({
      %run_scoped3A = tpu.sem_alloc : memref<!tpu.dma_semaphore, #tpu.memory_space<semaphore_mem>>
      tpu.enqueue_dma source(%arg3 : memref<640xf32, #tpu.memory_space<hbm>>) target(%arg7 : memref<640xf32, #tpu.memory_space<vmem>>) target_semaphore(%run_scoped3A : memref<!tpu.dma_semaphore, #tpu.memory_space<semaphore_mem>>)
      tpu.wait_dma2 semaphore(%run_scoped3A : memref<!tpu.dma_semaphore, #tpu.memory_space<semaphore_mem>>) src(%arg3 : memref<640xf32, #tpu.memory_space<hbm>>) dst(%arg7 : memref<640xf32, #tpu.memory_space<vmem>>)
      tpu.yield
    }) : () -> ()
    %mul3A_7 = arith.constant 640 : i32
    %mul3A_8 = arith.muli %arg1, %mul3A_7 : i32
    "tpu.region"() ({
      %run_scoped3A = tpu.sem_alloc : memref<!tpu.dma_semaphore, #tpu.memory_space<semaphore_mem>>
      %dma_start3A = tpu.memref_slice %arg9[%mul3A_8] : memref<10240xf32, #tpu.memory_space<vmem_shared>> -> memref<640xf32, #tpu.memory_space<vmem_shared>>
      %dma_start3A_21 = tpu.memref_slice %arg9[%mul3A_8] : memref<10240xf32, #tpu.memory_space<vmem_shared>> -> memref<640xf32, #tpu.memory_space<vmem_shared>>
      tpu.enqueue_dma source(%arg7 : memref<640xf32, #tpu.memory_space<vmem>>) target(%dma_start3A_21 : memref<640xf32, #tpu.memory_space<vmem_shared>>) target_semaphore(%run_scoped3A : memref<!tpu.dma_semaphore, #tpu.memory_space<semaphore_mem>>)
      %dma_wait3A = tpu.memref_slice %arg9[%mul3A_8] : memref<10240xf32, #tpu.memory_space<vmem_shared>> -> memref<640xf32, #tpu.memory_space<vmem_shared>>
      %dma_wait3A_22 = tpu.memref_slice %arg9[%mul3A_8] : memref<10240xf32, #tpu.memory_space<vmem_shared>> -> memref<640xf32, #tpu.memory_space<vmem_shared>>
      tpu.wait_dma2 semaphore(%run_scoped3A : memref<!tpu.dma_semaphore, #tpu.memory_space<semaphore_mem>>) src(%arg7 : memref<640xf32, #tpu.memory_space<vmem>>) dst(%dma_wait3A_22 : memref<640xf32, #tpu.memory_space<vmem_shared>>)
      tpu.yield
    }) : () -> ()
    %barrier3A = arith.constant 0 : index
    tpu.barrier barrier_id(%barrier3A)
    %scan3A_9 = arith.constant 0 : i32
    %scan3A_10 = arith.constant 0 : i32
    %scan3A_11 = arith.constant 80 : i32
    %scan3A_12 = arith.addi %scan3A_10, %scan3A_11 : i32
    %scan3A_13 = arith.constant 1 : i32
    %scan3A_14 = scf.for %scan3A_21 = %scan3A_10 to %scan3A_12 step %scan3A_13 iter_args(%scan3A_22 = %scan3A_9) -> (i32)  : i32 {
      "tpu.region"() ({
        %run_scoped3A = tpu.sem_alloc : memref<!tpu.dma_semaphore, #tpu.memory_space<semaphore_mem>>
        %dma_start3A = arith.constant 0 : i32
        %dma_start3A_24 = tpu.memref_slice %arg6[%dma_start3A] : memref<128xf32, #tpu.memory_space<vmem>> -> memref<125xf32, #tpu.memory_space<vmem>>
        %dma_start3A_25 = arith.constant 0 : i32
        %dma_start3A_26 = tpu.memref_slice %arg5[%scan3A_21, %dma_start3A_25] : memref<80x125xi32, #tpu.memory_space<vmem>> -> memref<1x125xi32, #tpu.memory_space<vmem>>
        %dma_start3A_27 = tpu.memref_squeeze %dma_start3A_26 : memref<1x125xi32, #tpu.memory_space<vmem>> -> memref<125xi32, #tpu.memory_space<vmem>>
        %dma_start3A_28 = arith.constant 0 : i32
        %dma_start3A_29 = tpu.memref_slice %arg9[%dma_start3A_28] : memref<10240xf32, #tpu.memory_space<vmem_shared>> -> memref<10240xf32, #tpu.memory_space<vmem_shared>>
        tpu.enqueue_indirect_dma source(%dma_start3A_24 : memref<125xf32, #tpu.memory_space<vmem>>) target(%dma_start3A_29 : memref<10240xf32, #tpu.memory_space<vmem_shared>>) offsets(%dma_start3A_27 : memref<125xi32, #tpu.memory_space<vmem>>) semaphore(%run_scoped3A : memref<!tpu.dma_semaphore, #tpu.memory_space<semaphore_mem>>) {add = true}
        %dma_wait3A = arith.constant 0 : i32
        %dma_wait3A_30 = tpu.memref_slice %arg6[%dma_wait3A] : memref<128xf32, #tpu.memory_space<vmem>> -> memref<125xf32, #tpu.memory_space<vmem>>
        %dma_wait3A_31 = arith.constant 0 : i32
        %dma_wait3A_32 = tpu.memref_slice %arg5[%scan3A_21, %dma_wait3A_31] : memref<80x125xi32, #tpu.memory_space<vmem>> -> memref<1x125xi32, #tpu.memory_space<vmem>>
        %dma_wait3A_33 = tpu.memref_squeeze %dma_wait3A_32 : memref<1x125xi32, #tpu.memory_space<vmem>> -> memref<125xi32, #tpu.memory_space<vmem>>
        %dma_wait3A_34 = arith.constant 0 : i32
        %dma_wait3A_35 = tpu.memref_slice %arg9[%dma_wait3A_34] : memref<10240xf32, #tpu.memory_space<vmem_shared>> -> memref<10240xf32, #tpu.memory_space<vmem_shared>>
        tpu.wait_indirect_dma semaphore(%run_scoped3A : memref<!tpu.dma_semaphore, #tpu.memory_space<semaphore_mem>>) src(%dma_wait3A_30 : memref<125xf32, #tpu.memory_space<vmem>>) dst(%dma_wait3A_35 : memref<10240xf32, #tpu.memory_space<vmem_shared>>)
        tpu.yield
      }) : () -> ()
      %scan3A_23 = arith.constant 0 : i32
      scf.yield %scan3A_23 : i32
    }
    %scan3A_15 = arith.constant 80 : i32
    %barrier3A_16 = arith.constant 0 : index
    tpu.barrier barrier_id(%barrier3A_16)
    %mul3A_17 = arith.constant 640 : i32
    %mul3A_18 = arith.muli %arg1, %mul3A_17 : i32
    "tpu.region"() ({
      %run_scoped3A = tpu.sem_alloc : memref<!tpu.dma_semaphore, #tpu.memory_space<semaphore_mem>>
      %dma_start3A = tpu.memref_slice %arg9[%mul3A_18] : memref<10240xf32, #tpu.memory_space<vmem_shared>> -> memref<640xf32, #tpu.memory_space<vmem_shared>>
      %dma_start3A_21 = tpu.memref_slice %arg9[%mul3A_18] : memref<10240xf32, #tpu.memory_space<vmem_shared>> -> memref<640xf32, #tpu.memory_space<vmem_shared>>
      tpu.enqueue_dma source(%dma_start3A_21 : memref<640xf32, #tpu.memory_space<vmem_shared>>) target(%arg8 : memref<640xf32, #tpu.memory_space<vmem>>) target_semaphore(%run_scoped3A : memref<!tpu.dma_semaphore, #tpu.memory_space<semaphore_mem>>)
      %dma_wait3A = tpu.memref_slice %arg9[%mul3A_18] : memref<10240xf32, #tpu.memory_space<vmem_shared>> -> memref<640xf32, #tpu.memory_space<vmem_shared>>
      %dma_wait3A_22 = tpu.memref_slice %arg9[%mul3A_18] : memref<10240xf32, #tpu.memory_space<vmem_shared>> -> memref<640xf32, #tpu.memory_space<vmem_shared>>
      tpu.wait_dma2 semaphore(%run_scoped3A : memref<!tpu.dma_semaphore, #tpu.memory_space<semaphore_mem>>) src(%dma_wait3A_22 : memref<640xf32, #tpu.memory_space<vmem_shared>>) dst(%arg8 : memref<640xf32, #tpu.memory_space<vmem>>)
      tpu.yield
    }) : () -> ()
    %mul3A_19 = arith.constant 640 : i32
    %mul3A_20 = arith.muli %arg1, %mul3A_19 : i32
    "tpu.region"() ({
      %run_scoped3A = tpu.sem_alloc : memref<!tpu.dma_semaphore, #tpu.memory_space<semaphore_mem>>
      %dma_start3A = arith.constant 0 : i32
      %dma_start3A_21 = tpu.memref_slice %arg4[%arg0, %dma_start3A] : memref<2x10240xf32, #tpu.memory_space<hbm>> -> memref<1x10240xf32, #tpu.memory_space<hbm>>
      %dma_start3A_22 = tpu.memref_squeeze %dma_start3A_21 : memref<1x10240xf32, #tpu.memory_space<hbm>> -> memref<10240xf32, #tpu.memory_space<hbm>>
      %dma_start3A_23 = tpu.memref_slice %dma_start3A_22[%mul3A_20] : memref<10240xf32, #tpu.memory_space<hbm>> -> memref<640xf32, #tpu.memory_space<hbm>>
      %dma_start3A_24 = arith.constant 0 : i32
      %dma_start3A_25 = tpu.memref_slice %arg4[%arg0, %dma_start3A_24] : memref<2x10240xf32, #tpu.memory_space<hbm>> -> memref<1x10240xf32, #tpu.memory_space<hbm>>
      %dma_start3A_26 = tpu.memref_squeeze %dma_start3A_25 : memref<1x10240xf32, #tpu.memory_space<hbm>> -> memref<10240xf32, #tpu.memory_space<hbm>>
      %dma_start3A_27 = tpu.memref_slice %dma_start3A_26[%mul3A_20] : memref<10240xf32, #tpu.memory_space<hbm>> -> memref<640xf32, #tpu.memory_space<hbm>>
      tpu.enqueue_dma source(%arg8 : memref<640xf32, #tpu.memory_space<vmem>>) target(%dma_start3A_27 : memref<640xf32, #tpu.memory_space<hbm>>) target_semaphore(%run_scoped3A : memref<!tpu.dma_semaphore, #tpu.memory_space<semaphore_mem>>)
      %dma_wait3A = arith.constant 0 : i32
      %dma_wait3A_28 = tpu.memref_slice %arg4[%arg0, %dma_wait3A] : memref<2x10240xf32, #tpu.memory_space<hbm>> -> memref<1x10240xf32, #tpu.memory_space<hbm>>
      %dma_wait3A_29 = tpu.memref_squeeze %dma_wait3A_28 : memref<1x10240xf32, #tpu.memory_space<hbm>> -> memref<10240xf32, #tpu.memory_space<hbm>>
      %dma_wait3A_30 = tpu.memref_slice %dma_wait3A_29[%mul3A_20] : memref<10240xf32, #tpu.memory_space<hbm>> -> memref<640xf32, #tpu.memory_space<hbm>>
      %dma_wait3A_31 = arith.constant 0 : i32
      %dma_wait3A_32 = tpu.memref_slice %arg4[%arg0, %dma_wait3A_31] : memref<2x10240xf32, #tpu.memory_space<hbm>> -> memref<1x10240xf32, #tpu.memory_space<hbm>>
      %dma_wait3A_33 = tpu.memref_squeeze %dma_wait3A_32 : memref<1x10240xf32, #tpu.memory_space<hbm>> -> memref<10240xf32, #tpu.memory_space<hbm>>
      %dma_wait3A_34 = tpu.memref_slice %dma_wait3A_33[%mul3A_20] : memref<10240xf32, #tpu.memory_space<hbm>> -> memref<640xf32, #tpu.memory_space<hbm>>
      tpu.wait_dma2 semaphore(%run_scoped3A : memref<!tpu.dma_semaphore, #tpu.memory_space<semaphore_mem>>) src(%arg8 : memref<640xf32, #tpu.memory_space<vmem>>) dst(%dma_wait3A_34 : memref<640xf32, #tpu.memory_space<hbm>>)
      tpu.yield
    }) : () -> ()
    return
  }
}

#map = affine_map<(d0, d1) -> (0, 0, 0)>
#map1 = affine_map<(d0, d1) -> (0, 0)>
module attributes {stable_mosaic.version = 14 : i64} {
  func.func @_scat_body(%arg0: i32, %arg1: i32, %arg2: memref<16x160x125xi32, #tpu.memory_space<hbm>>, %arg3: memref<16x160x125xi32, #tpu.memory_space<hbm>>, %arg4: memref<2x10000x64xf32, #tpu.memory_space<hbm>>, %arg5: memref<128x64xf32, #tpu.memory_space<hbm>>, %arg6: memref<2x10240x64xf32, #tpu.memory_space<hbm>>, %arg7: memref<160x125xi32, #tpu.memory_space<vmem>>, %arg8: memref<160x125xi32, #tpu.memory_space<vmem>>, %arg9: memref<125x64xf32, #tpu.memory_space<vmem>>, %arg10: memref<125x64xf32, #tpu.memory_space<vmem>>, %arg11: memref<125x64xf32, #tpu.memory_space<vmem>>, %arg12: memref<125x64xf32, #tpu.memory_space<vmem>>, %arg13: memref<128x64xf32, #tpu.memory_space<vmem>>, %arg14: memref<10240x64xf32, #tpu.memory_space<vmem_shared>>, %arg15: memref<!tpu.dma_semaphore, #tpu.memory_space<semaphore_mem>>, %arg16: memref<!tpu.dma_semaphore, #tpu.memory_space<semaphore_mem>>, %arg17: memref<!tpu.dma_semaphore, #tpu.memory_space<semaphore_mem>>, %arg18: memref<!tpu.dma_semaphore, #tpu.memory_space<semaphore_mem>>) attributes {dimension_semantics = [#tpu.dimension_semantics<core_parallel>, #tpu.dimension_semantics<subcore_parallel>], iteration_bounds = array<i64: 2, 16>, scalar_prefetch = 0 : i64, scratch_operands = 12 : i64, tpu.core_type = #tpu.core_type<sc_vector_subcore>, window_params = [{transform_indices = #map}, {transform_indices = #map}, {transform_indices = #map}, {transform_indices = #map1}, {transform_indices = #map}]} {
    "tpu.region"() ({
      %run_scoped3A = tpu.sem_alloc : memref<!tpu.dma_semaphore, #tpu.memory_space<semaphore_mem>>
      %dma_start3A_64 = arith.constant 0 : i32
      %dma_start3A_65 = arith.constant 0 : i32
      %dma_start3A_66 = tpu.memref_slice %arg2[%arg1, %dma_start3A_64, %dma_start3A_65] : memref<16x160x125xi32, #tpu.memory_space<hbm>> -> memref<1x160x125xi32, #tpu.memory_space<hbm>>
      %dma_start3A_67 = tpu.memref_squeeze %dma_start3A_66 : memref<1x160x125xi32, #tpu.memory_space<hbm>> -> memref<160x125xi32, #tpu.memory_space<hbm>>
      %dma_start3A_68 = arith.constant 0 : i32
      %dma_start3A_69 = arith.constant 0 : i32
      %dma_start3A_70 = tpu.memref_slice %arg2[%arg1, %dma_start3A_68, %dma_start3A_69] : memref<16x160x125xi32, #tpu.memory_space<hbm>> -> memref<1x160x125xi32, #tpu.memory_space<hbm>>
      %dma_start3A_71 = tpu.memref_squeeze %dma_start3A_70 : memref<1x160x125xi32, #tpu.memory_space<hbm>> -> memref<160x125xi32, #tpu.memory_space<hbm>>
      tpu.enqueue_dma source(%dma_start3A_71 : memref<160x125xi32, #tpu.memory_space<hbm>>) target(%arg7 : memref<160x125xi32, #tpu.memory_space<vmem>>) target_semaphore(%run_scoped3A : memref<!tpu.dma_semaphore, #tpu.memory_space<semaphore_mem>>)
      %dma_wait3A = arith.constant 0 : i32
      %dma_wait3A_72 = arith.constant 0 : i32
      %dma_wait3A_73 = tpu.memref_slice %arg2[%arg1, %dma_wait3A, %dma_wait3A_72] : memref<16x160x125xi32, #tpu.memory_space<hbm>> -> memref<1x160x125xi32, #tpu.memory_space<hbm>>
      %dma_wait3A_74 = tpu.memref_squeeze %dma_wait3A_73 : memref<1x160x125xi32, #tpu.memory_space<hbm>> -> memref<160x125xi32, #tpu.memory_space<hbm>>
      %dma_wait3A_75 = arith.constant 0 : i32
      %dma_wait3A_76 = arith.constant 0 : i32
      %dma_wait3A_77 = tpu.memref_slice %arg2[%arg1, %dma_wait3A_75, %dma_wait3A_76] : memref<16x160x125xi32, #tpu.memory_space<hbm>> -> memref<1x160x125xi32, #tpu.memory_space<hbm>>
      %dma_wait3A_78 = tpu.memref_squeeze %dma_wait3A_77 : memref<1x160x125xi32, #tpu.memory_space<hbm>> -> memref<160x125xi32, #tpu.memory_space<hbm>>
      tpu.wait_dma2 semaphore(%run_scoped3A : memref<!tpu.dma_semaphore, #tpu.memory_space<semaphore_mem>>) src(%dma_wait3A_78 : memref<160x125xi32, #tpu.memory_space<hbm>>) dst(%arg7 : memref<160x125xi32, #tpu.memory_space<vmem>>)
      tpu.yield
    }) : () -> ()
    "tpu.region"() ({
      %run_scoped3A = tpu.sem_alloc : memref<!tpu.dma_semaphore, #tpu.memory_space<semaphore_mem>>
      %dma_start3A_64 = arith.constant 0 : i32
      %dma_start3A_65 = arith.constant 0 : i32
      %dma_start3A_66 = tpu.memref_slice %arg3[%arg1, %dma_start3A_64, %dma_start3A_65] : memref<16x160x125xi32, #tpu.memory_space<hbm>> -> memref<1x160x125xi32, #tpu.memory_space<hbm>>
      %dma_start3A_67 = tpu.memref_squeeze %dma_start3A_66 : memref<1x160x125xi32, #tpu.memory_space<hbm>> -> memref<160x125xi32, #tpu.memory_space<hbm>>
      %dma_start3A_68 = arith.constant 0 : i32
      %dma_start3A_69 = arith.constant 0 : i32
      %dma_start3A_70 = tpu.memref_slice %arg3[%arg1, %dma_start3A_68, %dma_start3A_69] : memref<16x160x125xi32, #tpu.memory_space<hbm>> -> memref<1x160x125xi32, #tpu.memory_space<hbm>>
      %dma_start3A_71 = tpu.memref_squeeze %dma_start3A_70 : memref<1x160x125xi32, #tpu.memory_space<hbm>> -> memref<160x125xi32, #tpu.memory_space<hbm>>
      tpu.enqueue_dma source(%dma_start3A_71 : memref<160x125xi32, #tpu.memory_space<hbm>>) target(%arg8 : memref<160x125xi32, #tpu.memory_space<vmem>>) target_semaphore(%run_scoped3A : memref<!tpu.dma_semaphore, #tpu.memory_space<semaphore_mem>>)
      %dma_wait3A = arith.constant 0 : i32
      %dma_wait3A_72 = arith.constant 0 : i32
      %dma_wait3A_73 = tpu.memref_slice %arg3[%arg1, %dma_wait3A, %dma_wait3A_72] : memref<16x160x125xi32, #tpu.memory_space<hbm>> -> memref<1x160x125xi32, #tpu.memory_space<hbm>>
      %dma_wait3A_74 = tpu.memref_squeeze %dma_wait3A_73 : memref<1x160x125xi32, #tpu.memory_space<hbm>> -> memref<160x125xi32, #tpu.memory_space<hbm>>
      %dma_wait3A_75 = arith.constant 0 : i32
      %dma_wait3A_76 = arith.constant 0 : i32
      %dma_wait3A_77 = tpu.memref_slice %arg3[%arg1, %dma_wait3A_75, %dma_wait3A_76] : memref<16x160x125xi32, #tpu.memory_space<hbm>> -> memref<1x160x125xi32, #tpu.memory_space<hbm>>
      %dma_wait3A_78 = tpu.memref_squeeze %dma_wait3A_77 : memref<1x160x125xi32, #tpu.memory_space<hbm>> -> memref<160x125xi32, #tpu.memory_space<hbm>>
      tpu.wait_dma2 semaphore(%run_scoped3A : memref<!tpu.dma_semaphore, #tpu.memory_space<semaphore_mem>>) src(%dma_wait3A_78 : memref<160x125xi32, #tpu.memory_space<hbm>>) dst(%arg8 : memref<160x125xi32, #tpu.memory_space<vmem>>)
      tpu.yield
    }) : () -> ()
    "tpu.region"() ({
      %run_scoped3A = tpu.sem_alloc : memref<!tpu.dma_semaphore, #tpu.memory_space<semaphore_mem>>
      tpu.enqueue_dma source(%arg5 : memref<128x64xf32, #tpu.memory_space<hbm>>) target(%arg13 : memref<128x64xf32, #tpu.memory_space<vmem>>) target_semaphore(%run_scoped3A : memref<!tpu.dma_semaphore, #tpu.memory_space<semaphore_mem>>)
      tpu.wait_dma2 semaphore(%run_scoped3A : memref<!tpu.dma_semaphore, #tpu.memory_space<semaphore_mem>>) src(%arg5 : memref<128x64xf32, #tpu.memory_space<hbm>>) dst(%arg13 : memref<128x64xf32, #tpu.memory_space<vmem>>)
      tpu.yield
    }) : () -> ()
    %scan3A = arith.constant 0 : i32
    %scan3A_0 = arith.constant 0 : i32
    %scan3A_1 = arith.constant 5 : i32
    %scan3A_2 = arith.addi %scan3A_0, %scan3A_1 : i32
    %scan3A_3 = arith.constant 1 : i32
    %scan3A_4 = scf.for %scan3A_64 = %scan3A_0 to %scan3A_2 step %scan3A_3 iter_args(%scan3A_65 = %scan3A) -> (i32)  : i32 {
      %mul3A = arith.constant 640 : i32
      %mul3A_66 = arith.muli %arg1, %mul3A : i32
      %mul3A_67 = arith.constant 128 : i32
      %mul3A_68 = arith.muli %scan3A_64, %mul3A_67 : i32
      %add3A = arith.addi %mul3A_66, %mul3A_68 : i32
      "tpu.region"() ({
        %run_scoped3A = tpu.sem_alloc : memref<!tpu.dma_semaphore, #tpu.memory_space<semaphore_mem>>
        %dma_start3A_70 = arith.constant 0 : i32
        %dma_start3A_71 = tpu.memref_slice %arg14[%add3A, %dma_start3A_70] : memref<10240x64xf32, #tpu.memory_space<vmem_shared>> -> memref<128x64xf32, #tpu.memory_space<vmem_shared>>
        %dma_start3A_72 = arith.constant 0 : i32
        %dma_start3A_73 = tpu.memref_slice %arg14[%add3A, %dma_start3A_72] : memref<10240x64xf32, #tpu.memory_space<vmem_shared>> -> memref<128x64xf32, #tpu.memory_space<vmem_shared>>
        tpu.enqueue_dma source(%arg13 : memref<128x64xf32, #tpu.memory_space<vmem>>) target(%dma_start3A_73 : memref<128x64xf32, #tpu.memory_space<vmem_shared>>) target_semaphore(%run_scoped3A : memref<!tpu.dma_semaphore, #tpu.memory_space<semaphore_mem>>)
        %dma_wait3A = arith.constant 0 : i32
        %dma_wait3A_74 = tpu.memref_slice %arg14[%add3A, %dma_wait3A] : memref<10240x64xf32, #tpu.memory_space<vmem_shared>> -> memref<128x64xf32, #tpu.memory_space<vmem_shared>>
        %dma_wait3A_75 = arith.constant 0 : i32
        %dma_wait3A_76 = tpu.memref_slice %arg14[%add3A, %dma_wait3A_75] : memref<10240x64xf32, #tpu.memory_space<vmem_shared>> -> memref<128x64xf32, #tpu.memory_space<vmem_shared>>
        tpu.wait_dma2 semaphore(%run_scoped3A : memref<!tpu.dma_semaphore, #tpu.memory_space<semaphore_mem>>) src(%arg13 : memref<128x64xf32, #tpu.memory_space<vmem>>) dst(%dma_wait3A_76 : memref<128x64xf32, #tpu.memory_space<vmem_shared>>)
        tpu.yield
      }) : () -> ()
      %scan3A_69 = arith.constant 0 : i32
      scf.yield %scan3A_69 : i32
    }
    %scan3A_5 = arith.constant 5 : i32
    %barrier3A = arith.constant 0 : index
    tpu.barrier barrier_id(%barrier3A)
    %dma_start3A = arith.constant 0 : i32
    %dma_start3A_6 = arith.constant 0 : i32
    %dma_start3A_7 = tpu.memref_slice %arg7[%dma_start3A, %dma_start3A_6] : memref<160x125xi32, #tpu.memory_space<vmem>> -> memref<1x125xi32, #tpu.memory_space<vmem>>
    %dma_start3A_8 = tpu.memref_squeeze %dma_start3A_7 : memref<1x125xi32, #tpu.memory_space<vmem>> -> memref<125xi32, #tpu.memory_space<vmem>>
    %dma_start3A_9 = arith.constant 0 : i32
    %dma_start3A_10 = arith.constant 0 : i32
    %dma_start3A_11 = tpu.memref_slice %arg4[%arg0, %dma_start3A_9, %dma_start3A_10] : memref<2x10000x64xf32, #tpu.memory_space<hbm>> -> memref<1x10000x64xf32, #tpu.memory_space<hbm>>
    %dma_start3A_12 = tpu.memref_squeeze %dma_start3A_11 : memref<1x10000x64xf32, #tpu.memory_space<hbm>> -> memref<10000x64xf32, #tpu.memory_space<hbm>>
    %dma_start3A_13 = arith.constant 0 : i32
    %dma_start3A_14 = arith.constant 0 : i32
    %dma_start3A_15 = tpu.memref_slice %dma_start3A_12[%dma_start3A_13, %dma_start3A_14] : memref<10000x64xf32, #tpu.memory_space<hbm>> -> memref<10000x64xf32, #tpu.memory_space<hbm>>
    tpu.enqueue_indirect_dma source(%dma_start3A_15 : memref<10000x64xf32, #tpu.memory_space<hbm>>) target(%arg9 : memref<125x64xf32, #tpu.memory_space<vmem>>) offsets(%dma_start3A_8 : memref<125xi32, #tpu.memory_space<vmem>>) semaphore(%arg15 : memref<!tpu.dma_semaphore, #tpu.memory_space<semaphore_mem>>)
    %dma_start3A_16 = arith.constant 1 : i32
    %dma_start3A_17 = arith.constant 0 : i32
    %dma_start3A_18 = tpu.memref_slice %arg7[%dma_start3A_16, %dma_start3A_17] : memref<160x125xi32, #tpu.memory_space<vmem>> -> memref<1x125xi32, #tpu.memory_space<vmem>>
    %dma_start3A_19 = tpu.memref_squeeze %dma_start3A_18 : memref<1x125xi32, #tpu.memory_space<vmem>> -> memref<125xi32, #tpu.memory_space<vmem>>
    %dma_start3A_20 = arith.constant 0 : i32
    %dma_start3A_21 = arith.constant 0 : i32
    %dma_start3A_22 = tpu.memref_slice %arg4[%arg0, %dma_start3A_20, %dma_start3A_21] : memref<2x10000x64xf32, #tpu.memory_space<hbm>> -> memref<1x10000x64xf32, #tpu.memory_space<hbm>>
    %dma_start3A_23 = tpu.memref_squeeze %dma_start3A_22 : memref<1x10000x64xf32, #tpu.memory_space<hbm>> -> memref<10000x64xf32, #tpu.memory_space<hbm>>
    %dma_start3A_24 = arith.constant 0 : i32
    %dma_start3A_25 = arith.constant 0 : i32
    %dma_start3A_26 = tpu.memref_slice %dma_start3A_23[%dma_start3A_24, %dma_start3A_25] : memref<10000x64xf32, #tpu.memory_space<hbm>> -> memref<10000x64xf32, #tpu.memory_space<hbm>>
    tpu.enqueue_indirect_dma source(%dma_start3A_26 : memref<10000x64xf32, #tpu.memory_space<hbm>>) target(%arg10 : memref<125x64xf32, #tpu.memory_space<vmem>>) offsets(%dma_start3A_19 : memref<125xi32, #tpu.memory_space<vmem>>) semaphore(%arg16 : memref<!tpu.dma_semaphore, #tpu.memory_space<semaphore_mem>>)
    %dma_start3A_27 = arith.constant 2 : i32
    %dma_start3A_28 = arith.constant 0 : i32
    %dma_start3A_29 = tpu.memref_slice %arg7[%dma_start3A_27, %dma_start3A_28] : memref<160x125xi32, #tpu.memory_space<vmem>> -> memref<1x125xi32, #tpu.memory_space<vmem>>
    %dma_start3A_30 = tpu.memref_squeeze %dma_start3A_29 : memref<1x125xi32, #tpu.memory_space<vmem>> -> memref<125xi32, #tpu.memory_space<vmem>>
    %dma_start3A_31 = arith.constant 0 : i32
    %dma_start3A_32 = arith.constant 0 : i32
    %dma_start3A_33 = tpu.memref_slice %arg4[%arg0, %dma_start3A_31, %dma_start3A_32] : memref<2x10000x64xf32, #tpu.memory_space<hbm>> -> memref<1x10000x64xf32, #tpu.memory_space<hbm>>
    %dma_start3A_34 = tpu.memref_squeeze %dma_start3A_33 : memref<1x10000x64xf32, #tpu.memory_space<hbm>> -> memref<10000x64xf32, #tpu.memory_space<hbm>>
    %dma_start3A_35 = arith.constant 0 : i32
    %dma_start3A_36 = arith.constant 0 : i32
    %dma_start3A_37 = tpu.memref_slice %dma_start3A_34[%dma_start3A_35, %dma_start3A_36] : memref<10000x64xf32, #tpu.memory_space<hbm>> -> memref<10000x64xf32, #tpu.memory_space<hbm>>
    tpu.enqueue_indirect_dma source(%dma_start3A_37 : memref<10000x64xf32, #tpu.memory_space<hbm>>) target(%arg11 : memref<125x64xf32, #tpu.memory_space<vmem>>) offsets(%dma_start3A_30 : memref<125xi32, #tpu.memory_space<vmem>>) semaphore(%arg17 : memref<!tpu.dma_semaphore, #tpu.memory_space<semaphore_mem>>)
    %dma_start3A_38 = arith.constant 3 : i32
    %dma_start3A_39 = arith.constant 0 : i32
    %dma_start3A_40 = tpu.memref_slice %arg7[%dma_start3A_38, %dma_start3A_39] : memref<160x125xi32, #tpu.memory_space<vmem>> -> memref<1x125xi32, #tpu.memory_space<vmem>>
    %dma_start3A_41 = tpu.memref_squeeze %dma_start3A_40 : memref<1x125xi32, #tpu.memory_space<vmem>> -> memref<125xi32, #tpu.memory_space<vmem>>
    %dma_start3A_42 = arith.constant 0 : i32
    %dma_start3A_43 = arith.constant 0 : i32
    %dma_start3A_44 = tpu.memref_slice %arg4[%arg0, %dma_start3A_42, %dma_start3A_43] : memref<2x10000x64xf32, #tpu.memory_space<hbm>> -> memref<1x10000x64xf32, #tpu.memory_space<hbm>>
    %dma_start3A_45 = tpu.memref_squeeze %dma_start3A_44 : memref<1x10000x64xf32, #tpu.memory_space<hbm>> -> memref<10000x64xf32, #tpu.memory_space<hbm>>
    %dma_start3A_46 = arith.constant 0 : i32
    %dma_start3A_47 = arith.constant 0 : i32
    %dma_start3A_48 = tpu.memref_slice %dma_start3A_45[%dma_start3A_46, %dma_start3A_47] : memref<10000x64xf32, #tpu.memory_space<hbm>> -> memref<10000x64xf32, #tpu.memory_space<hbm>>
    tpu.enqueue_indirect_dma source(%dma_start3A_48 : memref<10000x64xf32, #tpu.memory_space<hbm>>) target(%arg12 : memref<125x64xf32, #tpu.memory_space<vmem>>) offsets(%dma_start3A_41 : memref<125xi32, #tpu.memory_space<vmem>>) semaphore(%arg18 : memref<!tpu.dma_semaphore, #tpu.memory_space<semaphore_mem>>)
    %scan3A_49 = arith.constant 0 : i32
    %scan3A_50 = arith.constant 0 : i32
    %scan3A_51 = arith.constant 40 : i32
    %scan3A_52 = arith.addi %scan3A_50, %scan3A_51 : i32
    %scan3A_53 = arith.constant 1 : i32
    %scan3A_54 = scf.for %scan3A_64 = %scan3A_50 to %scan3A_52 step %scan3A_53 iter_args(%scan3A_65 = %scan3A_49) -> (i32)  : i32 {
      %mul3A = arith.constant 4 : i32
      %mul3A_66 = arith.muli %mul3A, %scan3A_64 : i32
      %add3A = arith.constant 0 : i32
      %add3A_67 = arith.addi %mul3A_66, %add3A : i32
      %dma_wait3A = arith.constant 0 : i32
      %dma_wait3A_68 = tpu.memref_slice %arg7[%add3A_67, %dma_wait3A] : memref<160x125xi32, #tpu.memory_space<vmem>> -> memref<1x125xi32, #tpu.memory_space<vmem>>
      %dma_wait3A_69 = tpu.memref_squeeze %dma_wait3A_68 : memref<1x125xi32, #tpu.memory_space<vmem>> -> memref<125xi32, #tpu.memory_space<vmem>>
      %dma_wait3A_70 = arith.constant 0 : i32
      %dma_wait3A_71 = arith.constant 0 : i32
      %dma_wait3A_72 = tpu.memref_slice %arg4[%arg0, %dma_wait3A_70, %dma_wait3A_71] : memref<2x10000x64xf32, #tpu.memory_space<hbm>> -> memref<1x10000x64xf32, #tpu.memory_space<hbm>>
      %dma_wait3A_73 = tpu.memref_squeeze %dma_wait3A_72 : memref<1x10000x64xf32, #tpu.memory_space<hbm>> -> memref<10000x64xf32, #tpu.memory_space<hbm>>
      %dma_wait3A_74 = arith.constant 0 : i32
      %dma_wait3A_75 = arith.constant 0 : i32
      %dma_wait3A_76 = tpu.memref_slice %dma_wait3A_73[%dma_wait3A_74, %dma_wait3A_75] : memref<10000x64xf32, #tpu.memory_space<hbm>> -> memref<10000x64xf32, #tpu.memory_space<hbm>>
      tpu.wait_indirect_dma semaphore(%arg15 : memref<!tpu.dma_semaphore, #tpu.memory_space<semaphore_mem>>) src(%dma_wait3A_76 : memref<10000x64xf32, #tpu.memory_space<hbm>>) dst(%arg9 : memref<125x64xf32, #tpu.memory_space<vmem>>)
      "tpu.region"() ({
        %run_scoped3A = tpu.sem_alloc : memref<!tpu.dma_semaphore, #tpu.memory_space<semaphore_mem>>
        %dma_start3A_139 = arith.constant 0 : i32
        %dma_start3A_140 = tpu.memref_slice %arg8[%add3A_67, %dma_start3A_139] : memref<160x125xi32, #tpu.memory_space<vmem>> -> memref<1x125xi32, #tpu.memory_space<vmem>>
        %dma_start3A_141 = tpu.memref_squeeze %dma_start3A_140 : memref<1x125xi32, #tpu.memory_space<vmem>> -> memref<125xi32, #tpu.memory_space<vmem>>
        %dma_start3A_142 = arith.constant 0 : i32
        %dma_start3A_143 = arith.constant 0 : i32
        %dma_start3A_144 = tpu.memref_slice %arg14[%dma_start3A_142, %dma_start3A_143] : memref<10240x64xf32, #tpu.memory_space<vmem_shared>> -> memref<10240x64xf32, #tpu.memory_space<vmem_shared>>
        tpu.enqueue_indirect_dma source(%arg9 : memref<125x64xf32, #tpu.memory_space<vmem>>) target(%dma_start3A_144 : memref<10240x64xf32, #tpu.memory_space<vmem_shared>>) offsets(%dma_start3A_141 : memref<125xi32, #tpu.memory_space<vmem>>) semaphore(%run_scoped3A : memref<!tpu.dma_semaphore, #tpu.memory_space<semaphore_mem>>) {add = true}
        %dma_wait3A_145 = arith.constant 0 : i32
        %dma_wait3A_146 = tpu.memref_slice %arg8[%add3A_67, %dma_wait3A_145] : memref<160x125xi32, #tpu.memory_space<vmem>> -> memref<1x125xi32, #tpu.memory_space<vmem>>
        %dma_wait3A_147 = tpu.memref_squeeze %dma_wait3A_146 : memref<1x125xi32, #tpu.memory_space<vmem>> -> memref<125xi32, #tpu.memory_space<vmem>>
        %dma_wait3A_148 = arith.constant 0 : i32
        %dma_wait3A_149 = arith.constant 0 : i32
        %dma_wait3A_150 = tpu.memref_slice %arg14[%dma_wait3A_148, %dma_wait3A_149] : memref<10240x64xf32, #tpu.memory_space<vmem_shared>> -> memref<10240x64xf32, #tpu.memory_space<vmem_shared>>
        tpu.wait_indirect_dma semaphore(%run_scoped3A : memref<!tpu.dma_semaphore, #tpu.memory_space<semaphore_mem>>) src(%arg9 : memref<125x64xf32, #tpu.memory_space<vmem>>) dst(%dma_wait3A_150 : memref<10240x64xf32, #tpu.memory_space<vmem_shared>>)
        tpu.yield
      }) : () -> ()
      %add3A_77 = arith.constant 4 : i32
      %add3A_78 = arith.addi %add3A_67, %add3A_77 : i32
      %lt3A = arith.constant 160 : i32
      %lt3A_79 = arith.cmpi slt, %add3A_78, %lt3A : i32
      %convert_element_type3A = arith.extui %lt3A_79 : i1 to i32
      %cond3A = arith.constant 0 : i32
      %cond3A_80 = arith.cmpi ne, %convert_element_type3A, %cond3A : i32
      scf.if %cond3A_80 {
        %add3A_139 = arith.constant 4 : i32
        %add3A_140 = arith.addi %add3A_67, %add3A_139 : i32
        %dma_start3A_141 = arith.constant 0 : i32
        %dma_start3A_142 = tpu.memref_slice %arg7[%add3A_140, %dma_start3A_141] : memref<160x125xi32, #tpu.memory_space<vmem>> -> memref<1x125xi32, #tpu.memory_space<vmem>>
        %dma_start3A_143 = tpu.memref_squeeze %dma_start3A_142 : memref<1x125xi32, #tpu.memory_space<vmem>> -> memref<125xi32, #tpu.memory_space<vmem>>
        %dma_start3A_144 = arith.constant 0 : i32
        %dma_start3A_145 = arith.constant 0 : i32
        %dma_start3A_146 = tpu.memref_slice %arg4[%arg0, %dma_start3A_144, %dma_start3A_145] : memref<2x10000x64xf32, #tpu.memory_space<hbm>> -> memref<1x10000x64xf32, #tpu.memory_space<hbm>>
        %dma_start3A_147 = tpu.memref_squeeze %dma_start3A_146 : memref<1x10000x64xf32, #tpu.memory_space<hbm>> -> memref<10000x64xf32, #tpu.memory_space<hbm>>
        %dma_start3A_148 = arith.constant 0 : i32
        %dma_start3A_149 = arith.constant 0 : i32
        %dma_start3A_150 = tpu.memref_slice %dma_start3A_147[%dma_start3A_148, %dma_start3A_149] : memref<10000x64xf32, #tpu.memory_space<hbm>> -> memref<10000x64xf32, #tpu.memory_space<hbm>>
        tpu.enqueue_indirect_dma source(%dma_start3A_150 : memref<10000x64xf32, #tpu.memory_space<hbm>>) target(%arg9 : memref<125x64xf32, #tpu.memory_space<vmem>>) offsets(%dma_start3A_143 : memref<125xi32, #tpu.memory_space<vmem>>) semaphore(%arg15 : memref<!tpu.dma_semaphore, #tpu.memory_space<semaphore_mem>>)
      } else {
      }
      %add3A_81 = arith.constant 1 : i32
      %add3A_82 = arith.addi %mul3A_66, %add3A_81 : i32
      %dma_wait3A_83 = arith.constant 0 : i32
      %dma_wait3A_84 = tpu.memref_slice %arg7[%add3A_82, %dma_wait3A_83] : memref<160x125xi32, #tpu.memory_space<vmem>> -> memref<1x125xi32, #tpu.memory_space<vmem>>
      %dma_wait3A_85 = tpu.memref_squeeze %dma_wait3A_84 : memref<1x125xi32, #tpu.memory_space<vmem>> -> memref<125xi32, #tpu.memory_space<vmem>>
      %dma_wait3A_86 = arith.constant 0 : i32
      %dma_wait3A_87 = arith.constant 0 : i32
      %dma_wait3A_88 = tpu.memref_slice %arg4[%arg0, %dma_wait3A_86, %dma_wait3A_87] : memref<2x10000x64xf32, #tpu.memory_space<hbm>> -> memref<1x10000x64xf32, #tpu.memory_space<hbm>>
      %dma_wait3A_89 = tpu.memref_squeeze %dma_wait3A_88 : memref<1x10000x64xf32, #tpu.memory_space<hbm>> -> memref<10000x64xf32, #tpu.memory_space<hbm>>
      %dma_wait3A_90 = arith.constant 0 : i32
      %dma_wait3A_91 = arith.constant 0 : i32
      %dma_wait3A_92 = tpu.memref_slice %dma_wait3A_89[%dma_wait3A_90, %dma_wait3A_91] : memref<10000x64xf32, #tpu.memory_space<hbm>> -> memref<10000x64xf32, #tpu.memory_space<hbm>>
      tpu.wait_indirect_dma semaphore(%arg16 : memref<!tpu.dma_semaphore, #tpu.memory_space<semaphore_mem>>) src(%dma_wait3A_92 : memref<10000x64xf32, #tpu.memory_space<hbm>>) dst(%arg10 : memref<125x64xf32, #tpu.memory_space<vmem>>)
      "tpu.region"() ({
        %run_scoped3A = tpu.sem_alloc : memref<!tpu.dma_semaphore, #tpu.memory_space<semaphore_mem>>
        %dma_start3A_139 = arith.constant 0 : i32
        %dma_start3A_140 = tpu.memref_slice %arg8[%add3A_82, %dma_start3A_139] : memref<160x125xi32, #tpu.memory_space<vmem>> -> memref<1x125xi32, #tpu.memory_space<vmem>>
        %dma_start3A_141 = tpu.memref_squeeze %dma_start3A_140 : memref<1x125xi32, #tpu.memory_space<vmem>> -> memref<125xi32, #tpu.memory_space<vmem>>
        %dma_start3A_142 = arith.constant 0 : i32
        %dma_start3A_143 = arith.constant 0 : i32
        %dma_start3A_144 = tpu.memref_slice %arg14[%dma_start3A_142, %dma_start3A_143] : memref<10240x64xf32, #tpu.memory_space<vmem_shared>> -> memref<10240x64xf32, #tpu.memory_space<vmem_shared>>
        tpu.enqueue_indirect_dma source(%arg10 : memref<125x64xf32, #tpu.memory_space<vmem>>) target(%dma_start3A_144 : memref<10240x64xf32, #tpu.memory_space<vmem_shared>>) offsets(%dma_start3A_141 : memref<125xi32, #tpu.memory_space<vmem>>) semaphore(%run_scoped3A : memref<!tpu.dma_semaphore, #tpu.memory_space<semaphore_mem>>) {add = true}
        %dma_wait3A_145 = arith.constant 0 : i32
        %dma_wait3A_146 = tpu.memref_slice %arg8[%add3A_82, %dma_wait3A_145] : memref<160x125xi32, #tpu.memory_space<vmem>> -> memref<1x125xi32, #tpu.memory_space<vmem>>
        %dma_wait3A_147 = tpu.memref_squeeze %dma_wait3A_146 : memref<1x125xi32, #tpu.memory_space<vmem>> -> memref<125xi32, #tpu.memory_space<vmem>>
        %dma_wait3A_148 = arith.constant 0 : i32
        %dma_wait3A_149 = arith.constant 0 : i32
        %dma_wait3A_150 = tpu.memref_slice %arg14[%dma_wait3A_148, %dma_wait3A_149] : memref<10240x64xf32, #tpu.memory_space<vmem_shared>> -> memref<10240x64xf32, #tpu.memory_space<vmem_shared>>
        tpu.wait_indirect_dma semaphore(%run_scoped3A : memref<!tpu.dma_semaphore, #tpu.memory_space<semaphore_mem>>) src(%arg10 : memref<125x64xf32, #tpu.memory_space<vmem>>) dst(%dma_wait3A_150 : memref<10240x64xf32, #tpu.memory_space<vmem_shared>>)
        tpu.yield
      }) : () -> ()
      %add3A_93 = arith.constant 4 : i32
      %add3A_94 = arith.addi %add3A_82, %add3A_93 : i32
      %lt3A_95 = arith.constant 160 : i32
      %lt3A_96 = arith.cmpi slt, %add3A_94, %lt3A_95 : i32
      %convert_element_type3A_97 = arith.extui %lt3A_96 : i1 to i32
      %cond3A_98 = arith.constant 0 : i32
      %cond3A_99 = arith.cmpi ne, %convert_element_type3A_97, %cond3A_98 : i32
      scf.if %cond3A_99 {
        %add3A_139 = arith.constant 4 : i32
        %add3A_140 = arith.addi %add3A_82, %add3A_139 : i32
        %dma_start3A_141 = arith.constant 0 : i32
        %dma_start3A_142 = tpu.memref_slice %arg7[%add3A_140, %dma_start3A_141] : memref<160x125xi32, #tpu.memory_space<vmem>> -> memref<1x125xi32, #tpu.memory_space<vmem>>
        %dma_start3A_143 = tpu.memref_squeeze %dma_start3A_142 : memref<1x125xi32, #tpu.memory_space<vmem>> -> memref<125xi32, #tpu.memory_space<vmem>>
        %dma_start3A_144 = arith.constant 0 : i32
        %dma_start3A_145 = arith.constant 0 : i32
        %dma_start3A_146 = tpu.memref_slice %arg4[%arg0, %dma_start3A_144, %dma_start3A_145] : memref<2x10000x64xf32, #tpu.memory_space<hbm>> -> memref<1x10000x64xf32, #tpu.memory_space<hbm>>
        %dma_start3A_147 = tpu.memref_squeeze %dma_start3A_146 : memref<1x10000x64xf32, #tpu.memory_space<hbm>> -> memref<10000x64xf32, #tpu.memory_space<hbm>>
        %dma_start3A_148 = arith.constant 0 : i32
        %dma_start3A_149 = arith.constant 0 : i32
        %dma_start3A_150 = tpu.memref_slice %dma_start3A_147[%dma_start3A_148, %dma_start3A_149] : memref<10000x64xf32, #tpu.memory_space<hbm>> -> memref<10000x64xf32, #tpu.memory_space<hbm>>
        tpu.enqueue_indirect_dma source(%dma_start3A_150 : memref<10000x64xf32, #tpu.memory_space<hbm>>) target(%arg10 : memref<125x64xf32, #tpu.memory_space<vmem>>) offsets(%dma_start3A_143 : memref<125xi32, #tpu.memory_space<vmem>>) semaphore(%arg16 : memref<!tpu.dma_semaphore, #tpu.memory_space<semaphore_mem>>)
      } else {
      }
      %add3A_100 = arith.constant 2 : i32
      %add3A_101 = arith.addi %mul3A_66, %add3A_100 : i32
      %dma_wait3A_102 = arith.constant 0 : i32
      %dma_wait3A_103 = tpu.memref_slice %arg7[%add3A_101, %dma_wait3A_102] : memref<160x125xi32, #tpu.memory_space<vmem>> -> memref<1x125xi32, #tpu.memory_space<vmem>>
      %dma_wait3A_104 = tpu.memref_squeeze %dma_wait3A_103 : memref<1x125xi32, #tpu.memory_space<vmem>> -> memref<125xi32, #tpu.memory_space<vmem>>
      %dma_wait3A_105 = arith.constant 0 : i32
      %dma_wait3A_106 = arith.constant 0 : i32
      %dma_wait3A_107 = tpu.memref_slice %arg4[%arg0, %dma_wait3A_105, %dma_wait3A_106] : memref<2x10000x64xf32, #tpu.memory_space<hbm>> -> memref<1x10000x64xf32, #tpu.memory_space<hbm>>
      %dma_wait3A_108 = tpu.memref_squeeze %dma_wait3A_107 : memref<1x10000x64xf32, #tpu.memory_space<hbm>> -> memref<10000x64xf32, #tpu.memory_space<hbm>>
      %dma_wait3A_109 = arith.constant 0 : i32
      %dma_wait3A_110 = arith.constant 0 : i32
      %dma_wait3A_111 = tpu.memref_slice %dma_wait3A_108[%dma_wait3A_109, %dma_wait3A_110] : memref<10000x64xf32, #tpu.memory_space<hbm>> -> memref<10000x64xf32, #tpu.memory_space<hbm>>
      tpu.wait_indirect_dma semaphore(%arg17 : memref<!tpu.dma_semaphore, #tpu.memory_space<semaphore_mem>>) src(%dma_wait3A_111 : memref<10000x64xf32, #tpu.memory_space<hbm>>) dst(%arg11 : memref<125x64xf32, #tpu.memory_space<vmem>>)
      "tpu.region"() ({
        %run_scoped3A = tpu.sem_alloc : memref<!tpu.dma_semaphore, #tpu.memory_space<semaphore_mem>>
        %dma_start3A_139 = arith.constant 0 : i32
        %dma_start3A_140 = tpu.memref_slice %arg8[%add3A_101, %dma_start3A_139] : memref<160x125xi32, #tpu.memory_space<vmem>> -> memref<1x125xi32, #tpu.memory_space<vmem>>
        %dma_start3A_141 = tpu.memref_squeeze %dma_start3A_140 : memref<1x125xi32, #tpu.memory_space<vmem>> -> memref<125xi32, #tpu.memory_space<vmem>>
        %dma_start3A_142 = arith.constant 0 : i32
        %dma_start3A_143 = arith.constant 0 : i32
        %dma_start3A_144 = tpu.memref_slice %arg14[%dma_start3A_142, %dma_start3A_143] : memref<10240x64xf32, #tpu.memory_space<vmem_shared>> -> memref<10240x64xf32, #tpu.memory_space<vmem_shared>>
        tpu.enqueue_indirect_dma source(%arg11 : memref<125x64xf32, #tpu.memory_space<vmem>>) target(%dma_start3A_144 : memref<10240x64xf32, #tpu.memory_space<vmem_shared>>) offsets(%dma_start3A_141 : memref<125xi32, #tpu.memory_space<vmem>>) semaphore(%run_scoped3A : memref<!tpu.dma_semaphore, #tpu.memory_space<semaphore_mem>>) {add = true}
        %dma_wait3A_145 = arith.constant 0 : i32
        %dma_wait3A_146 = tpu.memref_slice %arg8[%add3A_101, %dma_wait3A_145] : memref<160x125xi32, #tpu.memory_space<vmem>> -> memref<1x125xi32, #tpu.memory_space<vmem>>
        %dma_wait3A_147 = tpu.memref_squeeze %dma_wait3A_146 : memref<1x125xi32, #tpu.memory_space<vmem>> -> memref<125xi32, #tpu.memory_space<vmem>>
        %dma_wait3A_148 = arith.constant 0 : i32
        %dma_wait3A_149 = arith.constant 0 : i32
        %dma_wait3A_150 = tpu.memref_slice %arg14[%dma_wait3A_148, %dma_wait3A_149] : memref<10240x64xf32, #tpu.memory_space<vmem_shared>> -> memref<10240x64xf32, #tpu.memory_space<vmem_shared>>
        tpu.wait_indirect_dma semaphore(%run_scoped3A : memref<!tpu.dma_semaphore, #tpu.memory_space<semaphore_mem>>) src(%arg11 : memref<125x64xf32, #tpu.memory_space<vmem>>) dst(%dma_wait3A_150 : memref<10240x64xf32, #tpu.memory_space<vmem_shared>>)
        tpu.yield
      }) : () -> ()
      %add3A_112 = arith.constant 4 : i32
      %add3A_113 = arith.addi %add3A_101, %add3A_112 : i32
      %lt3A_114 = arith.constant 160 : i32
      %lt3A_115 = arith.cmpi slt, %add3A_113, %lt3A_114 : i32
      %convert_element_type3A_116 = arith.extui %lt3A_115 : i1 to i32
      %cond3A_117 = arith.constant 0 : i32
      %cond3A_118 = arith.cmpi ne, %convert_element_type3A_116, %cond3A_117 : i32
      scf.if %cond3A_118 {
        %add3A_139 = arith.constant 4 : i32
        %add3A_140 = arith.addi %add3A_101, %add3A_139 : i32
        %dma_start3A_141 = arith.constant 0 : i32
        %dma_start3A_142 = tpu.memref_slice %arg7[%add3A_140, %dma_start3A_141] : memref<160x125xi32, #tpu.memory_space<vmem>> -> memref<1x125xi32, #tpu.memory_space<vmem>>
        %dma_start3A_143 = tpu.memref_squeeze %dma_start3A_142 : memref<1x125xi32, #tpu.memory_space<vmem>> -> memref<125xi32, #tpu.memory_space<vmem>>
        %dma_start3A_144 = arith.constant 0 : i32
        %dma_start3A_145 = arith.constant 0 : i32
        %dma_start3A_146 = tpu.memref_slice %arg4[%arg0, %dma_start3A_144, %dma_start3A_145] : memref<2x10000x64xf32, #tpu.memory_space<hbm>> -> memref<1x10000x64xf32, #tpu.memory_space<hbm>>
        %dma_start3A_147 = tpu.memref_squeeze %dma_start3A_146 : memref<1x10000x64xf32, #tpu.memory_space<hbm>> -> memref<10000x64xf32, #tpu.memory_space<hbm>>
        %dma_start3A_148 = arith.constant 0 : i32
        %dma_start3A_149 = arith.constant 0 : i32
        %dma_start3A_150 = tpu.memref_slice %dma_start3A_147[%dma_start3A_148, %dma_start3A_149] : memref<10000x64xf32, #tpu.memory_space<hbm>> -> memref<10000x64xf32, #tpu.memory_space<hbm>>
        tpu.enqueue_indirect_dma source(%dma_start3A_150 : memref<10000x64xf32, #tpu.memory_space<hbm>>) target(%arg11 : memref<125x64xf32, #tpu.memory_space<vmem>>) offsets(%dma_start3A_143 : memref<125xi32, #tpu.memory_space<vmem>>) semaphore(%arg17 : memref<!tpu.dma_semaphore, #tpu.memory_space<semaphore_mem>>)
      } else {
      }
      %add3A_119 = arith.constant 3 : i32
      %add3A_120 = arith.addi %mul3A_66, %add3A_119 : i32
      %dma_wait3A_121 = arith.constant 0 : i32
      %dma_wait3A_122 = tpu.memref_slice %arg7[%add3A_120, %dma_wait3A_121] : memref<160x125xi32, #tpu.memory_space<vmem>> -> memref<1x125xi32, #tpu.memory_space<vmem>>
      %dma_wait3A_123 = tpu.memref_squeeze %dma_wait3A_122 : memref<1x125xi32, #tpu.memory_space<vmem>> -> memref<125xi32, #tpu.memory_space<vmem>>
      %dma_wait3A_124 = arith.constant 0 : i32
      %dma_wait3A_125 = arith.constant 0 : i32
      %dma_wait3A_126 = tpu.memref_slice %arg4[%arg0, %dma_wait3A_124, %dma_wait3A_125] : memref<2x10000x64xf32, #tpu.memory_space<hbm>> -> memref<1x10000x64xf32, #tpu.memory_space<hbm>>
      %dma_wait3A_127 = tpu.memref_squeeze %dma_wait3A_126 : memref<1x10000x64xf32, #tpu.memory_space<hbm>> -> memref<10000x64xf32, #tpu.memory_space<hbm>>
      %dma_wait3A_128 = arith.constant 0 : i32
      %dma_wait3A_129 = arith.constant 0 : i32
      %dma_wait3A_130 = tpu.memref_slice %dma_wait3A_127[%dma_wait3A_128, %dma_wait3A_129] : memref<10000x64xf32, #tpu.memory_space<hbm>> -> memref<10000x64xf32, #tpu.memory_space<hbm>>
      tpu.wait_indirect_dma semaphore(%arg18 : memref<!tpu.dma_semaphore, #tpu.memory_space<semaphore_mem>>) src(%dma_wait3A_130 : memref<10000x64xf32, #tpu.memory_space<hbm>>) dst(%arg12 : memref<125x64xf32, #tpu.memory_space<vmem>>)
      "tpu.region"() ({
        %run_scoped3A = tpu.sem_alloc : memref<!tpu.dma_semaphore, #tpu.memory_space<semaphore_mem>>
        %dma_start3A_139 = arith.constant 0 : i32
        %dma_start3A_140 = tpu.memref_slice %arg8[%add3A_120, %dma_start3A_139] : memref<160x125xi32, #tpu.memory_space<vmem>> -> memref<1x125xi32, #tpu.memory_space<vmem>>
        %dma_start3A_141 = tpu.memref_squeeze %dma_start3A_140 : memref<1x125xi32, #tpu.memory_space<vmem>> -> memref<125xi32, #tpu.memory_space<vmem>>
        %dma_start3A_142 = arith.constant 0 : i32
        %dma_start3A_143 = arith.constant 0 : i32
        %dma_start3A_144 = tpu.memref_slice %arg14[%dma_start3A_142, %dma_start3A_143] : memref<10240x64xf32, #tpu.memory_space<vmem_shared>> -> memref<10240x64xf32, #tpu.memory_space<vmem_shared>>
        tpu.enqueue_indirect_dma source(%arg12 : memref<125x64xf32, #tpu.memory_space<vmem>>) target(%dma_start3A_144 : memref<10240x64xf32, #tpu.memory_space<vmem_shared>>) offsets(%dma_start3A_141 : memref<125xi32, #tpu.memory_space<vmem>>) semaphore(%run_scoped3A : memref<!tpu.dma_semaphore, #tpu.memory_space<semaphore_mem>>) {add = true}
        %dma_wait3A_145 = arith.constant 0 : i32
        %dma_wait3A_146 = tpu.memref_slice %arg8[%add3A_120, %dma_wait3A_145] : memref<160x125xi32, #tpu.memory_space<vmem>> -> memref<1x125xi32, #tpu.memory_space<vmem>>
        %dma_wait3A_147 = tpu.memref_squeeze %dma_wait3A_146 : memref<1x125xi32, #tpu.memory_space<vmem>> -> memref<125xi32, #tpu.memory_space<vmem>>
        %dma_wait3A_148 = arith.constant 0 : i32
        %dma_wait3A_149 = arith.constant 0 : i32
        %dma_wait3A_150 = tpu.memref_slice %arg14[%dma_wait3A_148, %dma_wait3A_149] : memref<10240x64xf32, #tpu.memory_space<vmem_shared>> -> memref<10240x64xf32, #tpu.memory_space<vmem_shared>>
        tpu.wait_indirect_dma semaphore(%run_scoped3A : memref<!tpu.dma_semaphore, #tpu.memory_space<semaphore_mem>>) src(%arg12 : memref<125x64xf32, #tpu.memory_space<vmem>>) dst(%dma_wait3A_150 : memref<10240x64xf32, #tpu.memory_space<vmem_shared>>)
        tpu.yield
      }) : () -> ()
      %add3A_131 = arith.constant 4 : i32
      %add3A_132 = arith.addi %add3A_120, %add3A_131 : i32
      %lt3A_133 = arith.constant 160 : i32
      %lt3A_134 = arith.cmpi slt, %add3A_132, %lt3A_133 : i32
      %convert_element_type3A_135 = arith.extui %lt3A_134 : i1 to i32
      %cond3A_136 = arith.constant 0 : i32
      %cond3A_137 = arith.cmpi ne, %convert_element_type3A_135, %cond3A_136 : i32
      scf.if %cond3A_137 {
        %add3A_139 = arith.constant 4 : i32
        %add3A_140 = arith.addi %add3A_120, %add3A_139 : i32
        %dma_start3A_141 = arith.constant 0 : i32
        %dma_start3A_142 = tpu.memref_slice %arg7[%add3A_140, %dma_start3A_141] : memref<160x125xi32, #tpu.memory_space<vmem>> -> memref<1x125xi32, #tpu.memory_space<vmem>>
        %dma_start3A_143 = tpu.memref_squeeze %dma_start3A_142 : memref<1x125xi32, #tpu.memory_space<vmem>> -> memref<125xi32, #tpu.memory_space<vmem>>
        %dma_start3A_144 = arith.constant 0 : i32
        %dma_start3A_145 = arith.constant 0 : i32
        %dma_start3A_146 = tpu.memref_slice %arg4[%arg0, %dma_start3A_144, %dma_start3A_145] : memref<2x10000x64xf32, #tpu.memory_space<hbm>> -> memref<1x10000x64xf32, #tpu.memory_space<hbm>>
        %dma_start3A_147 = tpu.memref_squeeze %dma_start3A_146 : memref<1x10000x64xf32, #tpu.memory_space<hbm>> -> memref<10000x64xf32, #tpu.memory_space<hbm>>
        %dma_start3A_148 = arith.constant 0 : i32
        %dma_start3A_149 = arith.constant 0 : i32
        %dma_start3A_150 = tpu.memref_slice %dma_start3A_147[%dma_start3A_148, %dma_start3A_149] : memref<10000x64xf32, #tpu.memory_space<hbm>> -> memref<10000x64xf32, #tpu.memory_space<hbm>>
        tpu.enqueue_indirect_dma source(%dma_start3A_150 : memref<10000x64xf32, #tpu.memory_space<hbm>>) target(%arg12 : memref<125x64xf32, #tpu.memory_space<vmem>>) offsets(%dma_start3A_143 : memref<125xi32, #tpu.memory_space<vmem>>) semaphore(%arg18 : memref<!tpu.dma_semaphore, #tpu.memory_space<semaphore_mem>>)
      } else {
      }
      %scan3A_138 = arith.constant 0 : i32
      scf.yield %scan3A_138 : i32
    }
    %scan3A_55 = arith.constant 40 : i32
    %barrier3A_56 = arith.constant 0 : index
    tpu.barrier barrier_id(%barrier3A_56)
    %scan3A_57 = arith.constant 0 : i32
    %scan3A_58 = arith.constant 0 : i32
    %scan3A_59 = arith.constant 5 : i32
    %scan3A_60 = arith.addi %scan3A_58, %scan3A_59 : i32
    %scan3A_61 = arith.constant 1 : i32
    %scan3A_62 = scf.for %scan3A_64 = %scan3A_58 to %scan3A_60 step %scan3A_61 iter_args(%scan3A_65 = %scan3A_57) -> (i32)  : i32 {
      %mul3A = arith.constant 640 : i32
      %mul3A_66 = arith.muli %arg1, %mul3A : i32
      %mul3A_67 = arith.constant 128 : i32
      %mul3A_68 = arith.muli %scan3A_64, %mul3A_67 : i32
      %add3A = arith.addi %mul3A_66, %mul3A_68 : i32
      "tpu.region"() ({
        %run_scoped3A = tpu.sem_alloc : memref<!tpu.dma_semaphore, #tpu.memory_space<semaphore_mem>>
        %dma_start3A_70 = arith.constant 0 : i32
        %dma_start3A_71 = tpu.memref_slice %arg14[%add3A, %dma_start3A_70] : memref<10240x64xf32, #tpu.memory_space<vmem_shared>> -> memref<128x64xf32, #tpu.memory_space<vmem_shared>>
        %dma_start3A_72 = arith.constant 0 : i32
        %dma_start3A_73 = tpu.memref_slice %arg14[%add3A, %dma_start3A_72] : memref<10240x64xf32, #tpu.memory_space<vmem_shared>> -> memref<128x64xf32, #tpu.memory_space<vmem_shared>>
        tpu.enqueue_dma source(%dma_start3A_73 : memref<128x64xf32, #tpu.memory_space<vmem_shared>>) target(%arg13 : memref<128x64xf32, #tpu.memory_space<vmem>>) target_semaphore(%run_scoped3A : memref<!tpu.dma_semaphore, #tpu.memory_space<semaphore_mem>>)
        %dma_wait3A = arith.constant 0 : i32
        %dma_wait3A_74 = tpu.memref_slice %arg14[%add3A, %dma_wait3A] : memref<10240x64xf32, #tpu.memory_space<vmem_shared>> -> memref<128x64xf32, #tpu.memory_space<vmem_shared>>
        %dma_wait3A_75 = arith.constant 0 : i32
        %dma_wait3A_76 = tpu.memref_slice %arg14[%add3A, %dma_wait3A_75] : memref<10240x64xf32, #tpu.memory_space<vmem_shared>> -> memref<128x64xf32, #tpu.memory_space<vmem_shared>>
        tpu.wait_dma2 semaphore(%run_scoped3A : memref<!tpu.dma_semaphore, #tpu.memory_space<semaphore_mem>>) src(%dma_wait3A_76 : memref<128x64xf32, #tpu.memory_space<vmem_shared>>) dst(%arg13 : memref<128x64xf32, #tpu.memory_space<vmem>>)
        tpu.yield
      }) : () -> ()
      "tpu.region"() ({
        %run_scoped3A = tpu.sem_alloc : memref<!tpu.dma_semaphore, #tpu.memory_space<semaphore_mem>>
        %dma_start3A_70 = arith.constant 0 : i32
        %dma_start3A_71 = arith.constant 0 : i32
        %dma_start3A_72 = tpu.memref_slice %arg6[%arg0, %dma_start3A_70, %dma_start3A_71] : memref<2x10240x64xf32, #tpu.memory_space<hbm>> -> memref<1x10240x64xf32, #tpu.memory_space<hbm>>
        %dma_start3A_73 = tpu.memref_squeeze %dma_start3A_72 : memref<1x10240x64xf32, #tpu.memory_space<hbm>> -> memref<10240x64xf32, #tpu.memory_space<hbm>>
        %dma_start3A_74 = arith.constant 0 : i32
        %dma_start3A_75 = tpu.memref_slice %dma_start3A_73[%add3A, %dma_start3A_74] : memref<10240x64xf32, #tpu.memory_space<hbm>> -> memref<128x64xf32, #tpu.memory_space<hbm>>
        %dma_start3A_76 = arith.constant 0 : i32
        %dma_start3A_77 = arith.constant 0 : i32
        %dma_start3A_78 = tpu.memref_slice %arg6[%arg0, %dma_start3A_76, %dma_start3A_77] : memref<2x10240x64xf32, #tpu.memory_space<hbm>> -> memref<1x10240x64xf32, #tpu.memory_space<hbm>>
        %dma_start3A_79 = tpu.memref_squeeze %dma_start3A_78 : memref<1x10240x64xf32, #tpu.memory_space<hbm>> -> memref<10240x64xf32, #tpu.memory_space<hbm>>
        %dma_start3A_80 = arith.constant 0 : i32
        %dma_start3A_81 = tpu.memref_slice %dma_start3A_79[%add3A, %dma_start3A_80] : memref<10240x64xf32, #tpu.memory_space<hbm>> -> memref<128x64xf32, #tpu.memory_space<hbm>>
        tpu.enqueue_dma source(%arg13 : memref<128x64xf32, #tpu.memory_space<vmem>>) target(%dma_start3A_81 : memref<128x64xf32, #tpu.memory_space<hbm>>) target_semaphore(%run_scoped3A : memref<!tpu.dma_semaphore, #tpu.memory_space<semaphore_mem>>)
        %dma_wait3A = arith.constant 0 : i32
        %dma_wait3A_82 = arith.constant 0 : i32
        %dma_wait3A_83 = tpu.memref_slice %arg6[%arg0, %dma_wait3A, %dma_wait3A_82] : memref<2x10240x64xf32, #tpu.memory_space<hbm>> -> memref<1x10240x64xf32, #tpu.memory_space<hbm>>
        %dma_wait3A_84 = tpu.memref_squeeze %dma_wait3A_83 : memref<1x10240x64xf32, #tpu.memory_space<hbm>> -> memref<10240x64xf32, #tpu.memory_space<hbm>>
        %dma_wait3A_85 = arith.constant 0 : i32
        %dma_wait3A_86 = tpu.memref_slice %dma_wait3A_84[%add3A, %dma_wait3A_85] : memref<10240x64xf32, #tpu.memory_space<hbm>> -> memref<128x64xf32, #tpu.memory_space<hbm>>
        %dma_wait3A_87 = arith.constant 0 : i32
        %dma_wait3A_88 = arith.constant 0 : i32
        %dma_wait3A_89 = tpu.memref_slice %arg6[%arg0, %dma_wait3A_87, %dma_wait3A_88] : memref<2x10240x64xf32, #tpu.memory_space<hbm>> -> memref<1x10240x64xf32, #tpu.memory_space<hbm>>
        %dma_wait3A_90 = tpu.memref_squeeze %dma_wait3A_89 : memref<1x10240x64xf32, #tpu.memory_space<hbm>> -> memref<10240x64xf32, #tpu.memory_space<hbm>>
        %dma_wait3A_91 = arith.constant 0 : i32
        %dma_wait3A_92 = tpu.memref_slice %dma_wait3A_90[%add3A, %dma_wait3A_91] : memref<10240x64xf32, #tpu.memory_space<hbm>> -> memref<128x64xf32, #tpu.memory_space<hbm>>
        tpu.wait_dma2 semaphore(%run_scoped3A : memref<!tpu.dma_semaphore, #tpu.memory_space<semaphore_mem>>) src(%arg13 : memref<128x64xf32, #tpu.memory_space<vmem>>) dst(%dma_wait3A_92 : memref<128x64xf32, #tpu.memory_space<hbm>>)
        tpu.yield
      }) : () -> ()
      %scan3A_69 = arith.constant 0 : i32
      scf.yield %scan3A_69 : i32
    }
    %scan3A_63 = arith.constant 5 : i32
    return
  }
}

module attributes {stable_mosaic.version = 14 : i64} {
  func.func @_mm_body(%arg0: i32, %arg1: memref<2000x128xf32, #tpu.memory_space<vmem>>, %arg2: memref<128x128xf32, #tpu.memory_space<vmem>>, %arg3: memref<2000x1xf32, #tpu.memory_space<vmem>>, %arg4: memref<2000x1xf32, #tpu.memory_space<vmem>>, %arg5: memref<2x2000x64xf32, #tpu.memory_space<vmem>>, %arg6: memref<2000x1xf32, #tpu.memory_space<vmem>>) attributes {dimension_semantics = [#tpu.dimension_semantics<arbitrary>], iteration_bounds = array<i64: 5>, scalar_prefetch = 0 : i64, scratch_operands = 0 : i64, tpu.core_type = #tpu.core_type<tc>, window_params = [{transform_indices = @transform_0, window_bounds = array<i64: 2000, 128>}, {pipeline_mode = #tpu.pipeline_mode<synchronous>, transform_indices = @transform_1, window_bounds = array<i64: 128, 128>}, {transform_indices = @transform_2, window_bounds = array<i64: 2000, 1>}, {transform_indices = @transform_3, window_bounds = array<i64: 2000, 1>}, {transform_indices = @transform_4, window_bounds = array<i64: 2, 2000, 64>}, {transform_indices = @transform_5, window_bounds = array<i64: 2000, 1>}]} {
    %get3A = arith.constant 0 : index
    %get3A_0 = arith.constant 0 : index
    %get3A_1 = vector.load %arg3[%get3A, %get3A_0] : memref<2000x1xf32, #tpu.memory_space<vmem>>, vector<2000x1xf32>
    %get3A_2 = arith.constant 0 : index
    %get3A_3 = arith.constant 0 : index
    %get3A_4 = vector.load %arg4[%get3A_2, %get3A_3] : memref<2000x1xf32, #tpu.memory_space<vmem>>, vector<2000x1xf32>
    %add3A = arith.addf %get3A_1, %get3A_4 : vector<2000x1xf32>
    %add3A_5 = arith.constant 1.000000e+00 : f32
    %add3A_6 = vector.broadcast %add3A_5 : f32 to vector<2000x1xf32>
    %add3A_7 = arith.addf %add3A, %add3A_6 : vector<2000x1xf32>
    %rsqrt3A = math.rsqrt %add3A_7 : vector<2000x1xf32>
    %get3A_8 = arith.constant 0 : index
    %get3A_9 = arith.constant 0 : index
    %get3A_10 = vector.load %arg1[%get3A_8, %get3A_9] : memref<2000x128xf32, #tpu.memory_space<vmem>>, vector<2000x128xf32>
    %get3A_11 = arith.constant 0 : index
    %get3A_12 = arith.constant 0 : index
    %get3A_13 = vector.load %arg2[%get3A_11, %get3A_12] : memref<128x128xf32, #tpu.memory_space<vmem>>, vector<128x128xf32>
    %dot_general3A = arith.constant dense<0.000000e+00> : vector<2000x128xf32>
    %dot_general3A_14 = tpu.matmul %get3A_10, %get3A_13, %dot_general3A {dimension_numbers = #tpu.dot_dimension_numbers<[1], [0], [0], [1], [0, 0, 1, 1], [], []>, transpose_lhs_hint = false} : vector<2000x128xf32>, vector<128x128xf32>, vector<2000x128xf32> -> vector<2000x128xf32>
    %mul3A = vector.broadcast %rsqrt3A : vector<2000x1xf32> to vector<2000x128xf32>
    %mul3A_15 = arith.mulf %dot_general3A_14, %mul3A : vector<2000x128xf32>
    %slice3A = vector.extract_strided_slice %mul3A_15 {offsets = [0, 0], sizes = [2000, 64], strides = [1, 1]} : vector<2000x128xf32> to vector<2000x64xf32>
    %swap3A = arith.constant 0 : index
    %swap3A_16 = arith.constant 0 : index
    %swap3A_17 = arith.constant 0 : index
    %swap3A_18 = vector.load %arg5[%swap3A, %swap3A_16, %swap3A_17] : memref<2x2000x64xf32, #tpu.memory_space<vmem>>, vector<1x2000x64xf32>
    %swap3A_19 = vector.shape_cast %swap3A_18 : vector<1x2000x64xf32> to vector<2000x64xf32>
    %swap3A_20 = vector.shape_cast %slice3A : vector<2000x64xf32> to vector<1x2000x64xf32>
    tpu.vector_store %arg5[%swap3A, %swap3A_16, %swap3A_17], %swap3A_20 {strides = array<i32>} : memref<2x2000x64xf32, #tpu.memory_space<vmem>>, vector<1x2000x64xf32>,
    %slice3A_21 = vector.extract_strided_slice %mul3A_15 {offsets = [0, 64], sizes = [2000, 64], strides = [1, 1]} : vector<2000x128xf32> to vector<2000x64xf32>
    %swap3A_22 = arith.constant 1 : index
    %swap3A_23 = arith.constant 0 : index
    %swap3A_24 = arith.constant 0 : index
    %swap3A_25 = vector.load %arg5[%swap3A_22, %swap3A_23, %swap3A_24] : memref<2x2000x64xf32, #tpu.memory_space<vmem>>, vector<1x2000x64xf32>
    %swap3A_26 = vector.shape_cast %swap3A_25 : vector<1x2000x64xf32> to vector<2000x64xf32>
    %swap3A_27 = vector.shape_cast %slice3A_21 : vector<2000x64xf32> to vector<1x2000x64xf32>
    tpu.vector_store %arg5[%swap3A_22, %swap3A_23, %swap3A_24], %swap3A_27 {strides = array<i32>} : memref<2x2000x64xf32, #tpu.memory_space<vmem>>, vector<1x2000x64xf32>,
    %swap3A_28 = arith.constant 0 : index
    %swap3A_29 = arith.constant 0 : index
    %swap3A_30 = vector.load %arg6[%swap3A_28, %swap3A_29] : memref<2000x1xf32, #tpu.memory_space<vmem>>, vector<2000x1xf32>
    tpu.vector_store %arg6[%swap3A_28, %swap3A_29], %rsqrt3A {strides = array<i32>} : memref<2000x1xf32, #tpu.memory_space<vmem>>, vector<2000x1xf32>,
    return
  }
  func.func @transform_0(%arg0: i32) -> (i32, i32) {
    %c0_i32 = arith.constant 0 : i32
    %c0_i32_0 = arith.constant 0 : i32
    return %arg0, %c0_i32 : i32, i32
  }
  func.func @transform_1(%arg0: i32) -> (i32, i32) {
    %c0_i32 = arith.constant 0 : i32
    %c0_i32_0 = arith.constant 0 : i32
    %c0_i32_1 = arith.constant 0 : i32
    return %c0_i32, %c0_i32_0 : i32, i32
  }
  func.func @transform_2(%arg0: i32) -> (i32, i32) {
    %c0_i32 = arith.constant 0 : i32
    %c0_i32_0 = arith.constant 0 : i32
    return %arg0, %c0_i32 : i32, i32
  }
  func.func @transform_3(%arg0: i32) -> (i32, i32) {
    %c0_i32 = arith.constant 0 : i32
    %c0_i32_0 = arith.constant 0 : i32
    return %arg0, %c0_i32 : i32, i32
  }
  func.func @transform_4(%arg0: i32) -> (i32, i32, i32) {
    %c0_i32 = arith.constant 0 : i32
    %c0_i32_0 = arith.constant 0 : i32
    %c0_i32_1 = arith.constant 0 : i32
    return %c0_i32, %arg0, %c0_i32_0 : i32, i32, i32
  }
  func.func @transform_5(%arg0: i32) -> (i32, i32) {
    %c0_i32 = arith.constant 0 : i32
    %c0_i32_0 = arith.constant 0 : i32
    return %arg0, %c0_i32 : i32, i32
  }
}

module attributes {stable_mosaic.version = 14 : i64} {
  func.func @_out_body(%arg0: i32, %arg1: memref<2x2000x64xf32, #tpu.memory_space<vmem>>, %arg2: memref<2x2000x64xf32, #tpu.memory_space<vmem>>, %arg3: memref<2000x1xf32, #tpu.memory_space<vmem>>, %arg4: memref<1x128xf32, #tpu.memory_space<vmem>>, %arg5: memref<2000x128xf32, #tpu.memory_space<vmem>>) attributes {dimension_semantics = [#tpu.dimension_semantics<arbitrary>], iteration_bounds = array<i64: 5>, scalar_prefetch = 0 : i64, scratch_operands = 0 : i64, tpu.core_type = #tpu.core_type<tc>, window_params = [{transform_indices = @transform_0, window_bounds = array<i64: 2, 2000, 64>}, {transform_indices = @transform_1, window_bounds = array<i64: 2, 2000, 64>}, {transform_indices = @transform_2, window_bounds = array<i64: 2000, 1>}, {pipeline_mode = #tpu.pipeline_mode<synchronous>, transform_indices = @transform_3, window_bounds = array<i64: 1, 128>}, {transform_indices = @transform_4, window_bounds = array<i64: 2000, 128>}]} {
    %get3A = arith.constant 0 : index
    %get3A_0 = arith.constant 0 : index
    %get3A_1 = arith.constant 0 : index
    %get3A_2 = vector.load %arg1[%get3A, %get3A_0, %get3A_1] : memref<2x2000x64xf32, #tpu.memory_space<vmem>>, vector<1x2000x64xf32>
    %get3A_3 = vector.shape_cast %get3A_2 : vector<1x2000x64xf32> to vector<2000x64xf32>
    %get3A_4 = arith.constant 1 : index
    %get3A_5 = arith.constant 0 : index
    %get3A_6 = arith.constant 0 : index
    %get3A_7 = vector.load %arg1[%get3A_4, %get3A_5, %get3A_6] : memref<2x2000x64xf32, #tpu.memory_space<vmem>>, vector<1x2000x64xf32>
    %get3A_8 = vector.shape_cast %get3A_7 : vector<1x2000x64xf32> to vector<2000x64xf32>
    %concatenate3A = tpu.concatenate %get3A_3, %get3A_8 in 1 : vector<2000x64xf32>, vector<2000x64xf32> -> vector<2000x128xf32>
    %get3A_9 = arith.constant 0 : index
    %get3A_10 = arith.constant 0 : index
    %get3A_11 = arith.constant 0 : index
    %get3A_12 = vector.load %arg2[%get3A_9, %get3A_10, %get3A_11] : memref<2x2000x64xf32, #tpu.memory_space<vmem>>, vector<1x2000x64xf32>
    %get3A_13 = vector.shape_cast %get3A_12 : vector<1x2000x64xf32> to vector<2000x64xf32>
    %get3A_14 = arith.constant 1 : index
    %get3A_15 = arith.constant 0 : index
    %get3A_16 = arith.constant 0 : index
    %get3A_17 = vector.load %arg2[%get3A_14, %get3A_15, %get3A_16] : memref<2x2000x64xf32, #tpu.memory_space<vmem>>, vector<1x2000x64xf32>
    %get3A_18 = vector.shape_cast %get3A_17 : vector<1x2000x64xf32> to vector<2000x64xf32>
    %concatenate3A_19 = tpu.concatenate %get3A_13, %get3A_18 in 1 : vector<2000x64xf32>, vector<2000x64xf32> -> vector<2000x128xf32>
    %add3A = arith.addf %concatenate3A, %concatenate3A_19 : vector<2000x128xf32>
    %get3A_20 = arith.constant 0 : index
    %get3A_21 = arith.constant 0 : index
    %get3A_22 = vector.load %arg3[%get3A_20, %get3A_21] : memref<2000x1xf32, #tpu.memory_space<vmem>>, vector<2000x1xf32>
    %mul3A = vector.broadcast %get3A_22 : vector<2000x1xf32> to vector<2000x128xf32>
    %mul3A_23 = arith.mulf %add3A, %mul3A : vector<2000x128xf32>
    %get3A_24 = arith.constant 0 : index
    %get3A_25 = arith.constant 0 : index
    %get3A_26 = vector.load %arg4[%get3A_24, %get3A_25] : memref<1x128xf32, #tpu.memory_space<vmem>>, vector<1x128xf32>
    %add3A_27 = vector.broadcast %get3A_26 : vector<1x128xf32> to vector<2000x128xf32>
    %add3A_28 = arith.addf %mul3A_23, %add3A_27 : vector<2000x128xf32>
    %swap3A = arith.constant 0 : index
    %swap3A_29 = arith.constant 0 : index
    %swap3A_30 = vector.load %arg5[%swap3A, %swap3A_29] : memref<2000x128xf32, #tpu.memory_space<vmem>>, vector<2000x128xf32>
    tpu.vector_store %arg5[%swap3A, %swap3A_29], %add3A_28 {strides = array<i32>} : memref<2000x128xf32, #tpu.memory_space<vmem>>, vector<2000x128xf32>,
    return
  }
  func.func @transform_0(%arg0: i32) -> (i32, i32, i32) {
    %c0_i32 = arith.constant 0 : i32
    %c0_i32_0 = arith.constant 0 : i32
    %c0_i32_1 = arith.constant 0 : i32
    return %c0_i32, %arg0, %c0_i32_0 : i32, i32, i32
  }
  func.func @transform_1(%arg0: i32) -> (i32, i32, i32) {
    %c0_i32 = arith.constant 0 : i32
    %c0_i32_0 = arith.constant 0 : i32
    %c0_i32_1 = arith.constant 0 : i32
    return %c0_i32, %arg0, %c0_i32_0 : i32, i32, i32
  }
  func.func @transform_2(%arg0: i32) -> (i32, i32) {
    %c0_i32 = arith.constant 0 : i32
    %c0_i32_0 = arith.constant 0 : i32
    return %arg0, %c0_i32 : i32, i32
  }
  func.func @transform_3(%arg0: i32) -> (i32, i32) {
    %c0_i32 = arith.constant 0 : i32
    %c0_i32_0 = arith.constant 0 : i32
    %c0_i32_1 = arith.constant 0 : i32
    return %c0_i32, %c0_i32_0 : i32, i32
  }
  func.func @transform_4(%arg0: i32) -> (i32, i32) {
    %c0_i32 = arith.constant 0 : i32
    %c0_i32_0 = arith.constant 0 : i32
    return %arg0, %c0_i32 : i32, i32
  }
}

</mosaic_0001>

<sc_bundles>
// kernel: kernel.6.cloned.1.call-start
scs
__scs_entry_jumppad:
0x0: {  	(pc) =	sbr.rel $0x88, $3  }
0x1: {  	(tag) =	ssettag $0x0;
	lr =	simm.s32 $0x1  }
0x2: {  	[smem:$0x3F9D] =	sst lr;
	_ =	strace $0xD0000000  }
0x3: {  	_ = 	snop  }
0x4: {  	_ = 	snop  }
0x5: {  	_ = 	snop  }
0x6: {  	_ = 	snop  }
0x7: {  	_ = 	snop  }
__scs_overlays_trampoline_lowered:
0x8: {  	[smem:$0x3FAC] =	sst s0  }
0x9: {  	[smem:$0x3FAD] =	sst s1  }
0xa: {  	[smem:$0x3FAE] =	sst s2  }
0xb: {  	[smem:$0x3FAF] =	sst s3  }
0xc: {  	[smem:$0x3FB0] =	sst s4  }
0xd: {  	[smem:$0x3FB1] =	sst s5  }
0xe: {  	[smem:$0x3FB2] =	sst s6  }
0xf: {  	[smem:$0x3FB3] =	sst s7  }
0x10: {  	[smem:$0x3FB4] =	sst s8  }
0x11: {  	[smem:$0x3FB5] =	sst s9;
	s0 =	simm.s32 @!p0 $0x0  }
0x12: {  	s1 =	sld [smem:$0x3F9B];
	s0 =	simm.s32 @p0 $0x1  }
0x13: {  	[smem:$0x3FB6] =	sst s0;
	s0 =	simm.s32 @!p1 $0x0  }
0x14: {  	s2 =	sld [smem:$0x3F9A];
	s0 =	simm.s32 @p1 $0x1  }
0x15: {  	[smem:$0x3FB7] =	sst s0;
	s0 =	simm.s32 @!p2 $0x0  }
0x16: {  	s3 =	sld [smem:$0x3FDB];
	s0 =	simm.s32 @p2 $0x1  }
0x17: {  	s4 =	simm.s32 $0x1BF5;
	[smem:$0x3FB9] =	sst s0  }
0x18: {  	s0 =	sld [smem:$0x3F9C];
	_ =	swait.ge [sflag:s4], $0x0  }
0x19: {  	s7 =	sld [smem:$0x3F9D]  }
0x1a: {  	s8 =	sadd.s32 $0xFFFFE003, lr  }
0x1b: {  	s9 =	sadd.s32 $0xFFFFFEF7, lr;
	s5 =	simm.s32 $0xFFFFFFFF;
	p2 =	slt.u32 s8, $0xFFFFF086  }
0x1c: {  	p1 =	slt.u32 s9, $0xF7A;
	s5 =	simm.s32 @!p2 $0x0  }
0x1d: {  	s5 =	simm.s32 @p1 $0x1;
	p0 =	seq.s32 s7, s2  }
0x1e: {  	s7 =	smul.u32 @!p0 $0xF7A, s2;
	p2 =	seq.s32 @!p0 s5, $0x0  }
0x1f: {  	s9 =	smul.u32 $0xF7A, s1;
	s8 =	simm.s32 @!p0 $0x1BF5;
	p2 =	por !p2, p0  }
0x20: {  	[sflag:s8] =	ssyncset.s32 @!p0 $0xFFFFF086;
	s6 =	sadd.s32 @!p0 s3, s7;
	s7 =	simm.s32 @!p0 $0x108  }
0x21: {  	s3 =	sadd.s32 s3, s9;
	s6 =	sadd.s32 @!p0 $0x88, s6;
	s7 =	simm.s32 @p2 $0x1082  }
0x22: {  	[simem:s7], [sflag:s8] =	dma.local @!p0 [hbm:s6], $0xF7A  }
0x23: {  	s9 =	sor.u32 $0xD0000000, s2;
	s6 =	simm.s32 $0x108;
	_ =	swait.ge @!p0 [sflag:s8], $0x0  }
0x24: {  	s3 =	sadd.s32 $0x88, s3;
	s6 =	simm.s32 @!p1 $0x1082;
	[sflag:s4] =	ssyncset.s32 $0xFFFFF086  }
0x25: {  	[simem:s6], [sflag:s4] =	dma.local [hbm:s3], $0xF7A  }
0x26: {  	[smem:$0x3F9D] =	sst s1;
	(tag) =	ssettag s2;
	_ =	strace s9  }
0x27: {  	s1 =	sld [smem:$0x3FAD]  }
0x28: {  	s2 =	sld [smem:$0x3FAE]  }
0x29: {  	s4 =	sld [smem:$0x3FB0]  }
0x2a: {  	p0 =	seq.s32 s5, $0x0;
	s5 =	sld [smem:$0x3FB1]  }
0x2b: {  	s6 =	sld [smem:$0x3FB2]  }
0x2c: {  	s7 =	sld [smem:$0x3FB3]  }
0x2d: {  	s3 =	simm.s32 $0x108;
	s8 =	sld [smem:$0x3FB4]  }
0x2e: {  	s3 =	simm.s32 @!p0 $0x1082;
	s9 =	sld [smem:$0x3FB5]  }
0x2f: {  	lr =	sadd.s32 s0, s3;
	s0 =	sld [smem:$0x3FAC]  }
0x30: {  	s3 =	sld [smem:$0x3FAF]  }
0x31: {  	[smem:$0x3FB8] =	sst s10  }
0x32: {  	s10 =	sld [smem:$0x3FB6];
	_ =	sdelay $0x3  }
0x33: {  	p0 =	seq.s32 s10, $0x1;
	s10 =	sld [smem:$0x3FB8];
	_ =	sdelay $0x3  }
0x34: {  	[smem:$0x3FB8] =	sst s10  }
0x35: {  	s10 =	sld [smem:$0x3FB7];
	_ =	sdelay $0x3  }
0x36: {  	p1 =	seq.s32 s10, $0x1;
	s10 =	sld [smem:$0x3FB8];
	_ =	sdelay $0x3  }
0x37: {  	[smem:$0x3FB8] =	sst s10  }
0x38: {  	s10 =	sld [smem:$0x3FB9]  }
0x39: {  	_ = 	snop;
	(pc) =	sbr.ind lr, $3  }
0x3a: {  	_ = 	snop  }
0x3b: {  	_ = 	snop  }
0x3c: {  	p2 =	seq.s32 s10, $0x1;
	s10 =	sld [smem:$0x3FB8]  }
0x3d: {  	_ =	shalt  }
0x3e: {  	_ =	shalt  }
0x3f: {  	_ =	shalt  }
0x40: {  	_ =	shalt  }
0x41: {  	_ =	shalt  }
0x42: {  	_ =	shalt  }
0x43: {  	_ =	shalt  }
0x44: {  	_ =	shalt  }
0x45: {  	_ =	shalt  }
0x46: {  	_ =	shalt  }
0x47: {  	_ =	shalt  }
0x48: {  	_ =	shalt  }
0x49: {  	_ =	shalt  }
0x4a: {  	_ =	shalt  }
0x4b: {  	_ =	shalt  }
0x4c: {  	_ =	shalt  }
0x4d: {  	_ =	shalt  }
0x4e: {  	_ =	shalt  }
0x4f: {  	_ =	shalt  }
0x50: {  	_ =	shalt  }
0x51: {  	_ =	shalt  }
0x52: {  	_ =	shalt  }
0x53: {  	_ =	shalt  }
0x54: {  	_ =	shalt  }
0x55: {  	_ =	shalt  }
0x56: {  	_ =	shalt  }
0x57: {  	_ =	shalt  }
0x58: {  	_ =	shalt  }
0x59: {  	_ =	shalt  }
0x5a: {  	_ =	shalt  }
0x5b: {  	_ =	shalt  }
0x5c: {  	_ =	shalt  }
0x5d: {  	_ =	shalt  }
0x5e: {  	_ =	shalt  }
0x5f: {  	_ =	shalt  }
0x60: {  	_ =	shalt  }
0x61: {  	_ =	shalt  }
0x62: {  	_ =	shalt  }
0x63: {  	_ =	shalt  }
0x64: {  	_ =	shalt  }
0x65: {  	_ =	shalt  }
0x66: {  	_ =	shalt  }
0x67: {  	_ =	shalt  }
0x68: {  	_ =	shalt  }
0x69: {  	_ =	shalt  }
0x6a: {  	_ =	shalt  }
0x6b: {  	_ =	shalt  }
0x6c: {  	_ =	shalt  }
0x6d: {  	_ =	shalt  }
0x6e: {  	_ =	shalt  }
0x6f: {  	_ =	shalt  }
0x70: {  	_ =	shalt  }
0x71: {  	_ =	shalt  }
0x72: {  	_ =	shalt  }
0x73: {  	_ =	shalt  }
0x74: {  	_ =	shalt  }
0x75: {  	_ =	shalt  }
0x76: {  	_ =	shalt  }
0x77: {  	_ =	shalt  }
0x78: {  	_ =	shalt  }
0x79: {  	_ =	shalt  }
0x7a: {  	_ =	shalt  }
0x7b: {  	_ =	shalt  }
0x7c: {  	_ =	shalt  }
0x7d: {  	_ =	shalt  }
0x7e: {  	_ =	shalt  }
0x7f: {  	_ =	shalt  }
0x80: {  	_ =	shalt  }
0x81: {  	_ =	shalt  }
0x82: {  	_ =	shalt  }
0x83: {  	_ =	shalt  }
0x84: {  	_ =	shalt  }
0x85: {  	_ =	shalt  }
0x86: {  	_ =	shalt  }
0x87: {  	_ =	shalt  }
.Lfunc_end0:
.L_simem_size_0:
called_computation_lowered:
.L_overlay_start_0:
0x88: {  	s2 =	sld [smem:$0x3FD9]  }
0x89: {  	s3 =	sld [smem:$0x3FFE];
	_ =	sdelay $0x1  }
0x8a: {  	s1 =	srdreg.scid  }
0x8b: {  	s0 =	sand.u32 $0x1, s1  }
0x8c: {  	s17 =	sshll.u32 s0, $0xA;
	s2 =	sadd.s32 s3, s2  }
0x8d: {  	s2 =	sadd.s32 s2, s17  }
0x8e: {  	[smem:$0x3FC4] =	sst s2  }
0x8f: {  	_ = 	snop  }
0x90: {  	s2 =	sld [smem:$0x3FD0];
	(tm) =	ssettm $0x1  }
0x91: {  	s18 =	sld [smem:$0x3FFB];
	_ =	sdelay $0x3  }
0x92: {  	_ =	strace s18  }
0x93: {  	s3 =	sld [smem:$0x3FFC];
	_ =	sdelay $0x3  }
0x94: {  	_ =	strace s3  }
0x95: {  	s3 =	sld [smem:$0x3FFD];
	_ =	sdelay $0x3  }
0x96: {  	_ =	strace s3  }
0x97: {  	_ =	strace $0x8FFFFFFF  }
0x98: {  	s19 =	sld [smem:$0x3FDB];
	_ =	sdelay $0x1  }
0x99: {  	s4 =	simm.s32 $_scs_section_size  }
0x9a: {  	s5 =	simm.s32 $_size__tile_overlayer_lowered;
	s6 =	simm.s32 $_tile_overlayer_lowered  }
0x9b: {  	s22 =	simm.s32 $0x1BFF;
	s21 =	sshll.u32 s6, $0x1;
	s3 =	sadd.s32 s4, s19  }
0x9c: {  	s7 =	simm.s32 $0x0;
	s20 =	sshll.u32 s5, $0x1;
	s5 =	sadd.s32 s21, s3  }
0x9d: {  	[timem:s7], [sflag:s22] =	dma.local [hbm:s5], s20  }
0x9e: {  	_ =	swait.ge [sflag:s22], s20  }
0x9f: {  	s4 =	ssub.s32 $0x0, s20;
	[sflag:s22] =	ssyncset.done $0x0  }
0xa0: {  	[sflag:s22] =	ssyncadd.s32 s4;
	_ =	sdelay $0x1  }
0xa1: {  	s23 =	simm.s32 $0x1B8B  }
0xa2: {  	_ =	swait.ge [sflag:s23], $0x1  }
0xa3: {  	[sflag:s23] =	ssyncset.done $0x0  }
0xa4: {  	s25 =	simm.s32 $0x1B8E;
	s24 =	sld [smem:$0x3FFE];
	[sflag:s23] =	ssyncadd.s32 $0xFFFFFFFF  }
0xa5: {  	s26 =	simm.s32 $execute0_lowered;
	[smem:$0x3FD2] =	sst s25  }
0xa6: {  	s5 =	sshll.u32 s26, $0x1;
	_ =	strace $0x80000046;
	[dreg:$0x1] =	wrdreg $0xFFFFFFFF  }
0xa7: {  	s28 =	simm.s32 $_size_execute0_lowered;
	s3 =	sadd.s32 s3, s5;
	[dreg:$0x0] =	wrdreg $0x0  }
0xa8: {  	s5 =	sshll.u32 s28, $0x1;
	[dreg:$0x2] =	wrdreg s3  }
0xa9: {  	[dreg:$0x3] =	wrdreg s5  }
0xaa: {  	[dreg:$0x4] =	wrdreg $0xC0  }
0xab: {  	_ =	task [dreg:s7], $0x5FFFF  }
0xac: {  	[dreg:$0x1] =	wrdreg $0xFFFFFFFF  }
0xad: {  	[dreg:$0x0] =	wrdreg $0x60  }
0xae: {  	[dreg:$0x2] =	wrdreg s2  }
0xaf: {  	[dreg:$0x3] =	wrdreg s24  }
0xb0: {  	[dreg:$0x4] =	wrdreg $0x2D800  }
0xb1: {  	[dreg:$0x5] =	wrdreg $0x9  }
0xb2: {  	_ =	task.clear_ibuf [dreg:s7], $0x6FFFF;
	_ =	strace $0x90000046  }
0xb3: {  	s29 =	simm.s32 $0x9;
	_ =	strace $0x80000048  }
0xb4: {  	_ =	swait.ge [sflag:s29], $0x1  }
0xb5: {  	[sflag:s29] =	ssyncadd.s32 $0xFFFFFFFF  }
0xb6: {  	_ =	strace $0x90000048  }
0xb7: {  	_ =	sfence  }
0xb8: {  	s30 =	sld [smem:$0x0];
	_ =	sdelay $0x2  }
0xb9: {  	s31 =	sshll.u32 s1, $0xD;
	s1 =	sshrl.u32 s1, $0x2  }
0xba: {  	s3 =	sand.u32 $0x4000, s31;
	s1 =	sadd.s32 s1, s30  }
0xbb: {  	s0 =	sor.u32 s3, s0;
	s1 =	sshll.u32 s1, $0x11  }
0xbc: {  	s0 =	sor.u32 s1, s0  }
0xbd: {  	s0 =	sadd.s32 $0x8F2B, s0  }
0xbe: {  	[sflag:s0] =	ssyncadd.remote.s32 $0x1  }
0xbf: {  	_ =	sfence.sel $0xFFFF  }
0xc0: {  	[dreg:$0x0] =	wrdreg $0xFFFFFFFF;
	(pc) =	sbr.abs _section_cstart, $3  }
0xc1: {  	[dreg:$0x1] =	wrdreg $0xFFFFFFFF  }
0xc2: {  	_ =	task.clear_ibuf [dreg:s7], $0x2FFFF;
	_ =	strace $0x9FFFFFFF  }
0xc3: {  	(tm) =	ssettm $0x7FFFFFFF  }
tec
execute0_lowered:
.L_overlay_start_1:
0x0: {  	(tag) =	ssettag $0x1  }
0x1: {  	s5 =	rddreg [dreg:$0x0]  }
0x2: {  	s6 =	rddreg [dreg:$0x1]  }
0x3: {  	s1 =	rddreg [dreg:$0x2];
	s2 =	srdreg.scid  }
0x4: {  	s0 =	rddreg [dreg:$0x3];
	s3 =	simm.s32 $0x0;
	s11 =	simm.s32 $0x2800  }
0x5: {  	s12 =	simm.s32 $0x2B00;
	s15 =	simm.s32 $0x100;
	s16 =	simm.s32 $0x0  }
0x6: {  	s7 =	sand.u32 $0x1, s2;
	[smem:$0x7FF] =	sst s3;
	s2 =	stileid.u32  }
0x7: {  	s4 =	sadd.s32 $0x1C00, s6;
	s8 =	sshll.u32 s7, $0x4;
	s10 =	smul.u32 $0xA00, s2  }
0x8: {  	_ =	strace $0x80000047;
	s7 =	ssub.s32 $0x2, s7;
	s14 =	smul.u32 $0xA0, s2  }
0x9: {  	s9 =	sor.u32 s2, s8;
	s8 =	sadd.s32 s8, s6;
	s31 =	sshrl.u32 s7, $0x1  }
0xa: {  	s9 =	smul.u32 $0x500, s9;
	s10 =	sshrl.u32 s10, $0x2;
	s7 =	ssub.s32 s7, s31  }
0xb: {  	s13 =	sadd.s32 $0x1E00, s8;
	s8 =	simm.s32 $0x1;
	s6 =	sadd.s32 s10, s1  }
0xc: {  	s7 =	smax.u32 s7, $0x1;
	s10 =	simm.s32 $0x7D;
	s13 =	sadd.s32 s14, s13  }
0xd: {  	v0 =	vimm.f32 $1.000000000e+00;
	s14 =	simm.s32 $0x80;
	s5 =	sadd.s32 s5, s9;
	s9 =	simm.s32 $0x2880  }
.LBB2_1:
0xe: {  	[tilespmem:$0x2800] =	vst v0  }
0xf: {  	[tilespmem:$0x2810] =	vst v0  }
0x10: {  	[tilespmem:$0x2820] =	vst v0  }
0x11: {  	[tilespmem:$0x2830] =	vst v0  }
0x12: {  	[tilespmem:$0x2840] =	vst v0  }
0x13: {  	[tilespmem:$0x2850] =	vst v0  }
0x14: {  	[tilespmem:$0x2860] =	vst v0  }
0x15: {  	[tilespmem:$0x2870] =	vst v0  }
0x16: {  	[tilespmem:s3], [sflag:$0x1] =	stream.linear.gather [hbm4b:s5+s3], $0x2800, $0x38;
	[tilespmem:$0x3000] =	vst v63  }
0x17: {  	_ =	swait.ge [sflag:s8], $0x2800  }
0x18: {  	[sflag:s8] =	ssyncset.done $0x0  }
0x19: {  	[sflag:s8] =	ssyncadd.s32 $0xFFFFD800  }
0x1a: {  	[tilespmem:s9], [sflag:$0x1] =	stream.linear.gather [hbm4b:s4+s3], $0x280, $0x38;
	[tilespmem:$0x3000] =	vst v63  }
0x1b: {  	_ =	swait.ge [sflag:s8], $0x280  }
0x1c: {  	[sflag:s8] =	ssyncset.done $0x0  }
0x1d: {  	[sflag:s8] =	ssyncadd.s32 $0xFFFFFD80  }
0x1e: {  	[spmem:s6] =	stream.linear.scatter [tilespmem:s9], [sflag:$0x1], $0x280, $0x38;
	[tilespmem:$0x3000] =	vst v63  }
0x1f: {  	_ =	swait.ge [sflag:s8], $0x280  }
0x20: {  	[sflag:s8] =	ssyncset.done $0x0  }
0x21: {  	[sflag:s8] =	ssyncadd.s32 $0xFFFFFD80  }
0x22: {  	s17 =	simm.s32 $0x0;
	[bflag:$0x0] =	sbarrier.arrive $0xFFFF  }
0x23: {  	[spmem:s1] =	stream.indirect.scatter.add.f32 [tilespmem:s11], [sflag:$0x1], $0x1, s17, s10, $0xb8;
	[tilespmem:$0x3000] =	vst v63  }
0x24: {  	_ =	swait.ge [sflag:s8], $0x7D  }
0x25: {  	s17 =	simm.s32 $0x200;
	[sflag:s8] =	ssyncset.done $0x0  }
.LBB2_2:
0x26: {  	s18 =	sshra.s32 s17, $0x2;
	[sflag:s8] =	ssyncadd.s32 $0xFFFFFF83;
	p0 =	sne.s32 s17, $0x9E00  }
0x27: {  	[spmem:s1] =	stream.indirect.scatter.add.f32 [tilespmem:s11], [sflag:$0x1], $0x1, s18, s10, $0xb8;
	[tilespmem:$0x3000] =	vst v63  }
.Ltmp0:
0x28: {  	_ = 	snop;
	(pc) =	sbr.rel @p0 .LBB2_2-.Ltmp0, $4  }
0x29: {  	_ = 	snop  }
0x2a: {  	s17 =	sadd.s32 $0x200, s17  }
0x2b: {  	_ =	swait.ge [sflag:s8], $0x7D  }
0x2c: {  	[sflag:s8] =	ssyncset.done $0x0  }
0x2d: {  	[sflag:s8] =	ssyncadd.s32 $0xFFFFFF83  }
0x2e: {  	[bflag:$0x0] =	sbarrier.arrive $0xFFFF  }
0x2f: {  	[tilespmem:s12], [sflag:$0x1] =	stream.linear.gather [spmem:s6], $0x280, $0x38;
	[tilespmem:$0x3000] =	vst v63  }
0x30: {  	s16 =	sadd.s32 $0x1, s16;
	_ =	swait.ge [sflag:s8], $0x280  }
0x31: {  	p0 =	sne.s32 s16, s7;
	[sflag:s8] =	ssyncset.done $0x0  }
.Ltmp1:
0x32: {  	[sflag:s8] =	ssyncadd.s32 $0xFFFFFD80;
	(pc) =	sbr.rel @p0 .LBB2_1-.Ltmp1, $4  }
0x33: {  	[hbm4b:s13+s14] =	stream.strided.scatter [tilespmem:s12], [sflag:$0x1], $0x280, s15, s14, $0x38;
	[tilespmem:$0x3000] =	vst v63  }
0x34: {  	_ =	swait.ge [sflag:s8], $0x280  }
0x35: {  	[sflag:s8] =	ssyncset.done $0x0  }
0x36: {  	[sflag:s8] =	ssyncadd.s32 $0xFFFFFD80  }
0x37: {  	_ =	sfence.sel $0x180000  }
0x38: {  	[bflag:$0x0] =	sbarrier.arrive $0xFFFF  }
0x39: {  	p0 =	sne.s32 s2, $0x0;
	_ =	strace $0x90000047  }
0x3a: {  	s0 =	sadd.s32 @!p0 $0x100000, s0;
	[bflag:$0x2] =	sbarrier.arrive $0xFFFF  }
0x3b: {  	[sflag:s0] =	ssyncadd.tile.s32 @!p0 $0x1;
	_ =	shalt  }
.Lfunc_end2:
_tile_overlayer_lowered:
.L_overlay_start_2:
0x3c: {  	(tag) =	ssettag $0x2  }
0x3d: {  	s0 =	rddreg [dreg:$0x0];
	s2 =	stileid.u32  }
0x3e: {  	s1 =	rddreg [dreg:$0x1];
	p0 =	sne.s32 s2, $0x0  }
0x3f: {  	s3 =	rddreg [dreg:$0x2];
	[bflag:$0x3] =	sbarrier.arrive $0xFFFF;
	s2 =	simm.s32 @!p0 $0x1C01  }
0x40: {  	[timem:s3], [sflag:s2] =	dma.local @!p0 [hbm:s0], s1  }
0x41: {  	s0 =	simm.s32 @!p0 $0x1  }
0x42: {  	_ =	swait.ge @!p0 [sflag:s0], s1  }
0x43: {  	s1 =	ssub.s32 @!p0 $0x0, s1;
	[sflag:s0] =	ssyncset.done @!p0 $0x0  }
0x44: {  	[sflag:s0] =	ssyncadd.s32 @!p0 s1  }
0x45: {  	[bflag:$0x3] =	sbarrier.arrive $0xFFFF  }
0x46: {  	_ =	shalt  }

// kernel: kernel.9.cloned.1.call-start
scs
__scs_entry_jumppad:
0x0: {  	(pc) =	sbr.rel $0x88, $3  }
0x1: {  	(tag) =	ssettag $0x0;
	lr =	simm.s32 $0x1  }
0x2: {  	[smem:$0x3F9D] =	sst lr;
	_ =	strace $0xD0000000  }
0x3: {  	_ = 	snop  }
0x4: {  	_ = 	snop  }
0x5: {  	_ = 	snop  }
0x6: {  	_ = 	snop  }
0x7: {  	_ = 	snop  }
__scs_overlays_trampoline_lowered:
0x8: {  	[smem:$0x3FAC] =	sst s0  }
0x9: {  	[smem:$0x3FAD] =	sst s1  }
0xa: {  	[smem:$0x3FAE] =	sst s2  }
0xb: {  	[smem:$0x3FAF] =	sst s3  }
0xc: {  	[smem:$0x3FB0] =	sst s4  }
0xd: {  	[smem:$0x3FB1] =	sst s5  }
0xe: {  	[smem:$0x3FB2] =	sst s6  }
0xf: {  	[smem:$0x3FB3] =	sst s7  }
0x10: {  	[smem:$0x3FB4] =	sst s8  }
0x11: {  	[smem:$0x3FB5] =	sst s9;
	s0 =	simm.s32 @!p0 $0x0  }
0x12: {  	s1 =	sld [smem:$0x3F9B];
	s0 =	simm.s32 @p0 $0x1  }
0x13: {  	[smem:$0x3FB6] =	sst s0;
	s0 =	simm.s32 @!p1 $0x0  }
0x14: {  	s2 =	sld [smem:$0x3F9A];
	s0 =	simm.s32 @p1 $0x1  }
0x15: {  	[smem:$0x3FB7] =	sst s0;
	s0 =	simm.s32 @!p2 $0x0  }
0x16: {  	s3 =	sld [smem:$0x3FDB];
	s0 =	simm.s32 @p2 $0x1  }
0x17: {  	s4 =	simm.s32 $0x1BF5;
	[smem:$0x3FB9] =	sst s0  }
0x18: {  	s0 =	sld [smem:$0x3F9C];
	_ =	swait.ge [sflag:s4], $0x0  }
0x19: {  	s7 =	sld [smem:$0x3F9D]  }
0x1a: {  	s8 =	sadd.s32 $0xFFFFE003, lr  }
0x1b: {  	s9 =	sadd.s32 $0xFFFFFEF7, lr;
	s5 =	simm.s32 $0xFFFFFFFF;
	p2 =	slt.u32 s8, $0xFFFFF086  }
0x1c: {  	p1 =	slt.u32 s9, $0xF7A;
	s5 =	simm.s32 @!p2 $0x0  }
0x1d: {  	s5 =	simm.s32 @p1 $0x1;
	p0 =	seq.s32 s7, s2  }
0x1e: {  	s7 =	smul.u32 @!p0 $0xF7A, s2;
	p2 =	seq.s32 @!p0 s5, $0x0  }
0x1f: {  	s9 =	smul.u32 $0xF7A, s1;
	s8 =	simm.s32 @!p0 $0x1BF5;
	p2 =	por !p2, p0  }
0x20: {  	[sflag:s8] =	ssyncset.s32 @!p0 $0xFFFFF086;
	s6 =	sadd.s32 @!p0 s3, s7;
	s7 =	simm.s32 @!p0 $0x108  }
0x21: {  	s3 =	sadd.s32 s3, s9;
	s6 =	sadd.s32 @!p0 $0x88, s6;
	s7 =	simm.s32 @p2 $0x1082  }
0x22: {  	[simem:s7], [sflag:s8] =	dma.local @!p0 [hbm:s6], $0xF7A  }
0x23: {  	s9 =	sor.u32 $0xD0000000, s2;
	s6 =	simm.s32 $0x108;
	_ =	swait.ge @!p0 [sflag:s8], $0x0  }
0x24: {  	s3 =	sadd.s32 $0x88, s3;
	s6 =	simm.s32 @!p1 $0x1082;
	[sflag:s4] =	ssyncset.s32 $0xFFFFF086  }
0x25: {  	[simem:s6], [sflag:s4] =	dma.local [hbm:s3], $0xF7A  }
0x26: {  	[smem:$0x3F9D] =	sst s1;
	(tag) =	ssettag s2;
	_ =	strace s9  }
0x27: {  	s1 =	sld [smem:$0x3FAD]  }
0x28: {  	s2 =	sld [smem:$0x3FAE]  }
0x29: {  	s4 =	sld [smem:$0x3FB0]  }
0x2a: {  	p0 =	seq.s32 s5, $0x0;
	s5 =	sld [smem:$0x3FB1]  }
0x2b: {  	s6 =	sld [smem:$0x3FB2]  }
0x2c: {  	s7 =	sld [smem:$0x3FB3]  }
0x2d: {  	s3 =	simm.s32 $0x108;
	s8 =	sld [smem:$0x3FB4]  }
0x2e: {  	s3 =	simm.s32 @!p0 $0x1082;
	s9 =	sld [smem:$0x3FB5]  }
0x2f: {  	lr =	sadd.s32 s0, s3;
	s0 =	sld [smem:$0x3FAC]  }
0x30: {  	s3 =	sld [smem:$0x3FAF]  }
0x31: {  	[smem:$0x3FB8] =	sst s10  }
0x32: {  	s10 =	sld [smem:$0x3FB6];
	_ =	sdelay $0x3  }
0x33: {  	p0 =	seq.s32 s10, $0x1;
	s10 =	sld [smem:$0x3FB8];
	_ =	sdelay $0x3  }
0x34: {  	[smem:$0x3FB8] =	sst s10  }
0x35: {  	s10 =	sld [smem:$0x3FB7];
	_ =	sdelay $0x3  }
0x36: {  	p1 =	seq.s32 s10, $0x1;
	s10 =	sld [smem:$0x3FB8];
	_ =	sdelay $0x3  }
0x37: {  	[smem:$0x3FB8] =	sst s10  }
0x38: {  	s10 =	sld [smem:$0x3FB9]  }
0x39: {  	_ = 	snop;
	(pc) =	sbr.ind lr, $3  }
0x3a: {  	_ = 	snop  }
0x3b: {  	_ = 	snop  }
0x3c: {  	p2 =	seq.s32 s10, $0x1;
	s10 =	sld [smem:$0x3FB8]  }
0x3d: {  	_ =	shalt  }
0x3e: {  	_ =	shalt  }
0x3f: {  	_ =	shalt  }
0x40: {  	_ =	shalt  }
0x41: {  	_ =	shalt  }
0x42: {  	_ =	shalt  }
0x43: {  	_ =	shalt  }
0x44: {  	_ =	shalt  }
0x45: {  	_ =	shalt  }
0x46: {  	_ =	shalt  }
0x47: {  	_ =	shalt  }
0x48: {  	_ =	shalt  }
0x49: {  	_ =	shalt  }
0x4a: {  	_ =	shalt  }
0x4b: {  	_ =	shalt  }
0x4c: {  	_ =	shalt  }
0x4d: {  	_ =	shalt  }
0x4e: {  	_ =	shalt  }
0x4f: {  	_ =	shalt  }
0x50: {  	_ =	shalt  }
0x51: {  	_ =	shalt  }
0x52: {  	_ =	shalt  }
0x53: {  	_ =	shalt  }
0x54: {  	_ =	shalt  }
0x55: {  	_ =	shalt  }
0x56: {  	_ =	shalt  }
0x57: {  	_ =	shalt  }
0x58: {  	_ =	shalt  }
0x59: {  	_ =	shalt  }
0x5a: {  	_ =	shalt  }
0x5b: {  	_ =	shalt  }
0x5c: {  	_ =	shalt  }
0x5d: {  	_ =	shalt  }
0x5e: {  	_ =	shalt  }
0x5f: {  	_ =	shalt  }
0x60: {  	_ =	shalt  }
0x61: {  	_ =	shalt  }
0x62: {  	_ =	shalt  }
0x63: {  	_ =	shalt  }
0x64: {  	_ =	shalt  }
0x65: {  	_ =	shalt  }
0x66: {  	_ =	shalt  }
0x67: {  	_ =	shalt  }
0x68: {  	_ =	shalt  }
0x69: {  	_ =	shalt  }
0x6a: {  	_ =	shalt  }
0x6b: {  	_ =	shalt  }
0x6c: {  	_ =	shalt  }
0x6d: {  	_ =	shalt  }
0x6e: {  	_ =	shalt  }
0x6f: {  	_ =	shalt  }
0x70: {  	_ =	shalt  }
0x71: {  	_ =	shalt  }
0x72: {  	_ =	shalt  }
0x73: {  	_ =	shalt  }
0x74: {  	_ =	shalt  }
0x75: {  	_ =	shalt  }
0x76: {  	_ =	shalt  }
0x77: {  	_ =	shalt  }
0x78: {  	_ =	shalt  }
0x79: {  	_ =	shalt  }
0x7a: {  	_ =	shalt  }
0x7b: {  	_ =	shalt  }
0x7c: {  	_ =	shalt  }
0x7d: {  	_ =	shalt  }
0x7e: {  	_ =	shalt  }
0x7f: {  	_ =	shalt  }
0x80: {  	_ =	shalt  }
0x81: {  	_ =	shalt  }
0x82: {  	_ =	shalt  }
0x83: {  	_ =	shalt  }
0x84: {  	_ =	shalt  }
0x85: {  	_ =	shalt  }
0x86: {  	_ =	shalt  }
0x87: {  	_ =	shalt  }
.Lfunc_end0:
.L_simem_size_0:
called_computation.1_lowered:
.L_overlay_start_0:
0x88: {  	s2 =	sld [smem:$0x3FD9]  }
0x89: {  	s3 =	sld [smem:$0x3FFE];
	_ =	sdelay $0x1  }
0x8a: {  	s1 =	srdreg.scid  }
0x8b: {  	s0 =	sand.u32 $0x1, s1  }
0x8c: {  	s17 =	sshll.u32 s0, $0xA;
	s2 =	sadd.s32 s3, s2  }
0x8d: {  	s2 =	sadd.s32 s2, s17  }
0x8e: {  	[smem:$0x3FC4] =	sst s2  }
0x8f: {  	_ = 	snop  }
0x90: {  	s2 =	sld [smem:$0x3FD0];
	(tm) =	ssettm $0x1  }
0x91: {  	s18 =	sld [smem:$0x3FFB];
	_ =	sdelay $0x3  }
0x92: {  	_ =	strace s18  }
0x93: {  	s3 =	sld [smem:$0x3FFC];
	_ =	sdelay $0x3  }
0x94: {  	_ =	strace s3  }
0x95: {  	s3 =	sld [smem:$0x3FFD];
	_ =	sdelay $0x3  }
0x96: {  	_ =	strace s3  }
0x97: {  	_ =	strace $0x8FFFFFFF  }
0x98: {  	s19 =	sld [smem:$0x3FDB];
	_ =	sdelay $0x1  }
0x99: {  	s4 =	simm.s32 $_scs_section_size  }
0x9a: {  	s5 =	simm.s32 $_size__tile_overlayer_lowered;
	s6 =	simm.s32 $_tile_overlayer_lowered  }
0x9b: {  	s22 =	simm.s32 $0x1BFF;
	s21 =	sshll.u32 s6, $0x1;
	s3 =	sadd.s32 s4, s19  }
0x9c: {  	s7 =	simm.s32 $0x0;
	s20 =	sshll.u32 s5, $0x1;
	s5 =	sadd.s32 s21, s3  }
0x9d: {  	[timem:s7], [sflag:s22] =	dma.local [hbm:s5], s20  }
0x9e: {  	_ =	swait.ge [sflag:s22], s20  }
0x9f: {  	s4 =	ssub.s32 $0x0, s20;
	[sflag:s22] =	ssyncset.done $0x0  }
0xa0: {  	[sflag:s22] =	ssyncadd.s32 s4;
	_ =	sdelay $0x1  }
0xa1: {  	s23 =	simm.s32 $0x1B8B  }
0xa2: {  	_ =	swait.ge [sflag:s23], $0x1  }
0xa3: {  	[sflag:s23] =	ssyncset.done $0x0  }
0xa4: {  	s25 =	simm.s32 $0x1B8E;
	s24 =	sld [smem:$0x3FFE];
	[sflag:s23] =	ssyncadd.s32 $0xFFFFFFFF  }
0xa5: {  	s26 =	simm.s32 $execute0_lowered;
	[smem:$0x3FD2] =	sst s25  }
0xa6: {  	s5 =	sshll.u32 s26, $0x1;
	_ =	strace $0x80000049;
	[dreg:$0x1] =	wrdreg $0xFFFFFFFF  }
0xa7: {  	s28 =	simm.s32 $_size_execute0_lowered;
	s3 =	sadd.s32 s3, s5;
	[dreg:$0x0] =	wrdreg $0x0  }
0xa8: {  	s5 =	sshll.u32 s28, $0x1;
	[dreg:$0x2] =	wrdreg s3  }
0xa9: {  	[dreg:$0x3] =	wrdreg s5  }
0xaa: {  	[dreg:$0x4] =	wrdreg $0xC0  }
0xab: {  	_ =	task [dreg:s7], $0x5FFFF  }
0xac: {  	[dreg:$0x1] =	wrdreg $0xFFFFFFFF  }
0xad: {  	[dreg:$0x0] =	wrdreg $0x60  }
0xae: {  	[dreg:$0x2] =	wrdreg s24  }
0xaf: {  	[dreg:$0x3] =	wrdreg s2  }
0xb0: {  	[dreg:$0x4] =	wrdreg $0x13D000  }
0xb1: {  	[dreg:$0x5] =	wrdreg $0x9  }
0xb2: {  	_ =	task.clear_ibuf [dreg:s7], $0x6FFFF;
	_ =	strace $0x90000049  }
0xb3: {  	s29 =	simm.s32 $0x9;
	_ =	strace $0x8000004B  }
0xb4: {  	_ =	swait.ge [sflag:s29], $0x1  }
0xb5: {  	[sflag:s29] =	ssyncadd.s32 $0xFFFFFFFF  }
0xb6: {  	_ =	strace $0x9000004B  }
0xb7: {  	_ =	sfence  }
0xb8: {  	s30 =	sld [smem:$0x0];
	_ =	sdelay $0x2  }
0xb9: {  	s31 =	sshll.u32 s1, $0xD;
	s1 =	sshrl.u32 s1, $0x2  }
0xba: {  	s3 =	sand.u32 $0x4000, s31;
	s1 =	sadd.s32 s1, s30  }
0xbb: {  	s0 =	sor.u32 s3, s0;
	s1 =	sshll.u32 s1, $0x11  }
0xbc: {  	s0 =	sor.u32 s1, s0  }
0xbd: {  	s0 =	sadd.s32 $0x8F2B, s0  }
0xbe: {  	[sflag:s0] =	ssyncadd.remote.s32 $0x1  }
0xbf: {  	_ =	sfence.sel $0xFFFF  }
0xc0: {  	[dreg:$0x0] =	wrdreg $0xFFFFFFFF;
	(pc) =	sbr.abs _section_cstart, $3  }
0xc1: {  	[dreg:$0x1] =	wrdreg $0xFFFFFFFF  }
0xc2: {  	_ =	task.clear_ibuf [dreg:s7], $0x2FFFF;
	_ =	strace $0x9FFFFFFF  }
0xc3: {  	(tm) =	ssettm $0x7FFFFFFF  }
tec
execute0_lowered:
.L_overlay_start_1:
0x0: {  	(tag) =	ssettag $0x1  }
0x1: {  	s0 =	rddreg [dreg:$0x0]  }
0x2: {  	s1 =	rddreg [dreg:$0x1]  }
0x3: {  	s2 =	rddreg [dreg:$0x2];
	s3 =	simm.s32 $0x0;
	s10 =	stileid.u32  }
0x4: {  	s5 =	srdreg.scid;
	s28 =	simm.s32 $0x7D;
	s29 =	simm.s32 $0xA000  }
0x5: {  	s31 =	simm.s32 $0xBF40;
	s30 =	simm.s32 $0xFDC0;
	s4 =	smul.u32 $0xA00, s10  }
0x6: {  	[smem:$0x7FF] =	sst s3;
	s5 =	sand.u32 $0x1, s5;
	s9 =	smul.u32 $0x28000, s10  }
0x7: {  	s8 =	sadd.s32 $0x1C00, s0;
	s19 =	smul.u32 $0xA000, s10;
	_ =	strace $0x8000004A  }
0x8: {  	s6 =	smul.u32 $0x14000, s5;
	s7 =	ssub.s32 $0x2, s5;
	[dreg:$0x4] =	wrdreg s8  }
0x9: {  	s5 =	smul.u32 $0x13880, s5;
	s4 =	sadd.s32 s4, s0;
	s15 =	sshrl.u32 s7, $0x1  }
0xa: {  	s18 =	sshrl.u32 s9, $0x2;
	s20 =	sadd.s32 s19, s2;
	s23 =	sshrl.u32 s19, $0x3  }
0xb: {  	s24 =	sadd.s32 $0x2000, s19;
	s25 =	sadd.s32 $0x4000, s19;
	s26 =	sadd.s32 $0x6000, s19  }
0xc: {  	s9 =	sadd.s32 $0x8000, s19;
	s19 =	simm.s32 $0x5;
	s0 =	sadd.s32 s6, s0  }
0xd: {  	s16 =	ssub.s32 s7, s15;
	s17 =	sadd.s32 $0x2800, s4;
	s4 =	sadd.s32 $0xC800, s4  }
0xe: {  	s7 =	sadd.s32 s18, s2;
	s8 =	sadd.s32 s1, s5;
	[dreg:$0x7] =	wrdreg s20  }
0xf: {  	s15 =	sadd.s32 s24, s2;
	s5 =	sshrl.u32 s25, $0x3;
	s6 =	sshrl.u32 s26, $0x3  }
0x10: {  	s18 =	sadd.s32 s9, s2;
	s9 =	sshrl.u32 s9, $0x3;
	[dreg:$0x5] =	wrdreg s17  }
0x11: {  	s1 =	simm.s32 $0xDE80;
	[dreg:$0x6] =	wrdreg s4;
	s0 =	sadd.s32 $0x64A00, s0  }
0x12: {  	s21 =	smax.u32 s16, $0x1;
	s22 =	sadd.s32 $0x2000, s7;
	s12 =	sadd.s32 $0x4000, s7  }
0x13: {  	s13 =	sadd.s32 $0x6000, s7;
	s14 =	sadd.s32 $0x8000, s7;
	s4 =	sshrl.u32 s24, $0x3  }
0x14: {  	s16 =	sadd.s32 s25, s2;
	s17 =	sadd.s32 s26, s2;
	[dreg:$0x8] =	wrdreg s21  }
0x15: {  	s26 =	simm.s32 $0x11D00;
	s25 =	simm.s32 $0x2;
	[dreg:$0x9] =	wrdreg s22  }
0x16: {  	s20 =	sadd.s32 s23, s0;
	s21 =	sadd.s32 s4, s0;
	s22 =	sadd.s32 s5, s0  }
0x17: {  	s23 =	sadd.s32 s6, s0;
	s24 =	sadd.s32 s9, s0;
	s0 =	simm.s32 $0x1  }
0x18: {  	s4 =	simm.s32 $0x3;
	s5 =	simm.s32 $0x4;
	s6 =	simm.s32 $0x0  }
.LBB2_1:
0x19: {  	s9 =	rddreg [dreg:$0x5]  }
0x1a: {  	[tilespmem:s3], [sflag:$0x5] =	stream.linear.gather [hbm4b:s9+s3], $0x5000, $0x38;
	[tilespmem:$0x1DD00] =	vst v63  }
0x1b: {  	_ =	swait.ge [sflag:s19], $0x5000  }
0x1c: {  	[sflag:s19] =	ssyncset.done $0x0  }
0x1d: {  	s10 =	simm.s32 $0x5000;
	s11 =	rddreg [dreg:$0x6];
	[sflag:s19] =	ssyncadd.s32 $0xFFFFB000  }
0x1e: {  	[tilespmem:s10], [sflag:$0x5] =	stream.linear.gather [hbm4b:s11+s3], $0x5000, $0x38;
	[tilespmem:$0x1DD00] =	vst v63  }
0x1f: {  	_ =	swait.ge [sflag:s19], $0x5000  }
0x20: {  	[sflag:s19] =	ssyncset.done $0x0  }
0x21: {  	s10 =	rddreg [dreg:$0x4];
	[sflag:s19] =	ssyncadd.s32 $0xFFFFB000  }
0x22: {  	[tilespmem:s26], [sflag:$0x5] =	stream.linear.gather [hbm4b:s10+s3], $0x2000, $0x38;
	[tilespmem:$0x1DD00] =	vst v63  }
0x23: {  	_ =	swait.ge [sflag:s19], $0x2000  }
0x24: {  	[sflag:s19] =	ssyncset.done $0x0  }
0x25: {  	[sflag:s19] =	ssyncadd.s32 $0xFFFFE000  }
0x26: {  	[spmem:s7] =	stream.linear.scatter [tilespmem:s26], [sflag:$0x5], $0x2000, $0x38;
	[tilespmem:$0x1DD00] =	vst v63  }
0x27: {  	_ =	swait.ge [sflag:s19], $0x2000  }
0x28: {  	[sflag:s19] =	ssyncset.done $0x0  }
0x29: {  	s11 =	rddreg [dreg:$0x9];
	[sflag:s19] =	ssyncadd.s32 $0xFFFFE000  }
0x2a: {  	[spmem:s11] =	stream.linear.scatter [tilespmem:s26], [sflag:$0x5], $0x2000, $0x38;
	[tilespmem:$0x1DD00] =	vst v63  }
0x2b: {  	_ =	swait.ge [sflag:s19], $0x2000  }
0x2c: {  	[sflag:s19] =	ssyncset.done $0x0  }
0x2d: {  	[sflag:s19] =	ssyncadd.s32 $0xFFFFE000  }
0x2e: {  	[spmem:s12] =	stream.linear.scatter [tilespmem:s26], [sflag:$0x5], $0x2000, $0x38;
	[tilespmem:$0x1DD00] =	vst v63  }
0x2f: {  	_ =	swait.ge [sflag:s19], $0x2000  }
0x30: {  	[sflag:s19] =	ssyncset.done $0x0  }
0x31: {  	[sflag:s19] =	ssyncadd.s32 $0xFFFFE000  }
0x32: {  	[spmem:s13] =	stream.linear.scatter [tilespmem:s26], [sflag:$0x5], $0x2000, $0x38;
	[tilespmem:$0x1DD00] =	vst v63  }
0x33: {  	_ =	swait.ge [sflag:s19], $0x2000  }
0x34: {  	[sflag:s19] =	ssyncset.done $0x0  }
0x35: {  	[sflag:s19] =	ssyncadd.s32 $0xFFFFE000  }
0x36: {  	[spmem:s14] =	stream.linear.scatter [tilespmem:s26], [sflag:$0x5], $0x2000, $0x38;
	[tilespmem:$0x1DD00] =	vst v63  }
0x37: {  	_ =	swait.ge [sflag:s19], $0x2000  }
0x38: {  	[sflag:s19] =	ssyncset.done $0x0  }
0x39: {  	[sflag:s19] =	ssyncadd.s32 $0xFFFFE000  }
0x3a: {  	[bflag:$0x0] =	sbarrier.arrive $0xFFFF  }
0x3b: {  	[tilespmem:s29], [sflag:$0x1] =	stream.indirect.gather [hbm4b:s8+s28], $0x40, s3, s28, $0xb8;
	[tilespmem:$0x1DD00] =	vst v63  }
0x3c: {  	s10 =	simm.s32 $0x80  }
0x3d: {  	[tilespmem:s31], [sflag:$0x2] =	stream.indirect.gather [hbm4b:s8+s28], $0x40, s10, s28, $0xb8;
	[tilespmem:$0x1DD00] =	vst v63  }
0x3e: {  	s11 =	simm.s32 $0x100  }
0x3f: {  	[tilespmem:s1], [sflag:$0x3] =	stream.indirect.gather [hbm4b:s8+s28], $0x40, s11, s28, $0xb8;
	[tilespmem:$0x1DD00] =	vst v63  }
0x40: {  	s10 =	simm.s32 $0x180  }
0x41: {  	[tilespmem:s30], [sflag:$0x4] =	stream.indirect.gather [hbm4b:s8+s28], $0x40, s10, s28, $0xb8;
	[tilespmem:$0x1DD00] =	vst v63  }
0x42: {  	_ =	swait.ge [sflag:s0], $0x1F40  }
0x43: {  	[sflag:s0] =	ssyncset.done $0x0  }
0x44: {  	s11 =	simm.s32 $0x5000;
	[sflag:s0] =	ssyncadd.s32 $0xFFFFE0C0  }
0x45: {  	[spmem:s2] =	stream.indirect.scatter.add.f32 [tilespmem:s29], [sflag:$0x5], $0x40, s11, s28, $0xb8;
	[tilespmem:$0x1DD00] =	vst v63  }
0x46: {  	_ =	swait.ge [sflag:s19], $0x1F40  }
0x47: {  	[sflag:s19] =	ssyncset.done $0x0  }
0x48: {  	s10 =	simm.s32 $0x200;
	[sflag:s19] =	ssyncadd.s32 $0xFFFFE0C0  }
0x49: {  	[tilespmem:s29], [sflag:$0x1] =	stream.indirect.gather [hbm4b:s8+s28], $0x40, s10, s28, $0xb8;
	[tilespmem:$0x1DD00] =	vst v63  }
0x4a: {  	_ =	swait.ge [sflag:s25], $0x1F40  }
0x4b: {  	[sflag:s25] =	ssyncset.done $0x0  }
0x4c: {  	s11 =	simm.s32 $0x5080;
	[sflag:s25] =	ssyncadd.s32 $0xFFFFE0C0  }
0x4d: {  	[spmem:s2] =	stream.indirect.scatter.add.f32 [tilespmem:s31], [sflag:$0x5], $0x40, s11, s28, $0xb8;
	[tilespmem:$0x1DD00] =	vst v63  }
0x4e: {  	_ =	swait.ge [sflag:s19], $0x1F40  }
0x4f: {  	[sflag:s19] =	ssyncset.done $0x0  }
0x50: {  	s10 =	simm.s32 $0x280;
	[sflag:s19] =	ssyncadd.s32 $0xFFFFE0C0  }
0x51: {  	[tilespmem:s31], [sflag:$0x2] =	stream.indirect.gather [hbm4b:s8+s28], $0x40, s10, s28, $0xb8;
	[tilespmem:$0x1DD00] =	vst v63  }
0x52: {  	_ =	swait.ge [sflag:s4], $0x1F40  }
0x53: {  	[sflag:s4] =	ssyncset.done $0x0  }
0x54: {  	s11 =	simm.s32 $0x5100;
	[sflag:s4] =	ssyncadd.s32 $0xFFFFE0C0  }
0x55: {  	[spmem:s2] =	stream.indirect.scatter.add.f32 [tilespmem:s1], [sflag:$0x5], $0x40, s11, s28, $0xb8;
	[tilespmem:$0x1DD00] =	vst v63  }
0x56: {  	_ =	swait.ge [sflag:s19], $0x1F40  }
0x57: {  	[sflag:s19] =	ssyncset.done $0x0  }
0x58: {  	s10 =	simm.s32 $0x300;
	[sflag:s19] =	ssyncadd.s32 $0xFFFFE0C0  }
0x59: {  	[tilespmem:s1], [sflag:$0x3] =	stream.indirect.gather [hbm4b:s8+s28], $0x40, s10, s28, $0xb8;
	[tilespmem:$0x1DD00] =	vst v63  }
0x5a: {  	_ =	swait.ge [sflag:s5], $0x1F40  }
0x5b: {  	[sflag:s5] =	ssyncset.done $0x0  }
0x5c: {  	s11 =	simm.s32 $0x5180;
	[sflag:s5] =	ssyncadd.s32 $0xFFFFE0C0  }
0x5d: {  	[spmem:s2] =	stream.indirect.scatter.add.f32 [tilespmem:s30], [sflag:$0x5], $0x40, s11, s28, $0xb8;
	[tilespmem:$0x1DD00] =	vst v63  }
0x5e: {  	_ =	swait.ge [sflag:s19], $0x1F40  }
0x5f: {  	[sflag:s19] =	ssyncset.done $0x0  }
0x60: {  	s9 =	simm.s32 $0x800;
	s10 =	simm.s32 $0x380;
	[sflag:s19] =	ssyncadd.s32 $0xFFFFE0C0  }
.LBB2_2:
0x61: {  	[tilespmem:s30], [sflag:$0x4] =	stream.indirect.gather [hbm4b:s8+s28], $0x40, s10, s28, $0xb8;
	[tilespmem:$0x1DD00] =	vst v63  }
0x62: {  	s10 =	smov.u32 s9  }
0x63: {  	p0 =	sne.s32 s9, $0x13000;
	s9 =	sadd.s32 $0x800, s9;
	_ =	swait.ge [sflag:s0], $0x1F40  }
0x64: {  	s10 =	sshra.s32 s10, $0x2;
	[sflag:s0] =	ssyncset.done $0x0  }
0x65: {  	s11 =	sadd.s32 $0x5000, s10;
	[sflag:s0] =	ssyncadd.s32 $0xFFFFE0C0  }
0x66: {  	[spmem:s2] =	stream.indirect.scatter.add.f32 [tilespmem:s29], [sflag:$0x5], $0x40, s11, s28, $0xb8;
	[tilespmem:$0x1DD00] =	vst v63  }
0x67: {  	_ =	swait.ge [sflag:s19], $0x1F40  }
0x68: {  	[sflag:s19] =	ssyncset.done $0x0  }
0x69: {  	s11 =	sadd.s32 $0x200, s10;
	[sflag:s19] =	ssyncadd.s32 $0xFFFFE0C0  }
0x6a: {  	[tilespmem:s29], [sflag:$0x1] =	stream.indirect.gather [hbm4b:s8+s28], $0x40, s11, s28, $0xb8;
	[tilespmem:$0x1DD00] =	vst v63  }
0x6b: {  	_ =	swait.ge [sflag:s25], $0x1F40  }
0x6c: {  	[sflag:s25] =	ssyncset.done $0x0  }
0x6d: {  	s11 =	sadd.s32 $0x5080, s10;
	[sflag:s25] =	ssyncadd.s32 $0xFFFFE0C0  }
0x6e: {  	[spmem:s2] =	stream.indirect.scatter.add.f32 [tilespmem:s31], [sflag:$0x5], $0x40, s11, s28, $0xb8;
	[tilespmem:$0x1DD00] =	vst v63  }
0x6f: {  	_ =	swait.ge [sflag:s19], $0x1F40  }
0x70: {  	[sflag:s19] =	ssyncset.done $0x0  }
0x71: {  	s11 =	sadd.s32 $0x280, s10;
	[sflag:s19] =	ssyncadd.s32 $0xFFFFE0C0  }
0x72: {  	[tilespmem:s31], [sflag:$0x2] =	stream.indirect.gather [hbm4b:s8+s28], $0x40, s11, s28, $0xb8;
	[tilespmem:$0x1DD00] =	vst v63  }
0x73: {  	_ =	swait.ge [sflag:s4], $0x1F40  }
0x74: {  	[sflag:s4] =	ssyncset.done $0x0  }
0x75: {  	s11 =	sadd.s32 $0x5100, s10;
	[sflag:s4] =	ssyncadd.s32 $0xFFFFE0C0  }
0x76: {  	[spmem:s2] =	stream.indirect.scatter.add.f32 [tilespmem:s1], [sflag:$0x5], $0x40, s11, s28, $0xb8;
	[tilespmem:$0x1DD00] =	vst v63  }
0x77: {  	_ =	swait.ge [sflag:s19], $0x1F40  }
0x78: {  	[sflag:s19] =	ssyncset.done $0x0  }
0x79: {  	s11 =	sadd.s32 $0x300, s10;
	[sflag:s19] =	ssyncadd.s32 $0xFFFFE0C0  }
0x7a: {  	[tilespmem:s1], [sflag:$0x3] =	stream.indirect.gather [hbm4b:s8+s28], $0x40, s11, s28, $0xb8;
	[tilespmem:$0x1DD00] =	vst v63  }
0x7b: {  	_ =	swait.ge [sflag:s5], $0x1F40  }
0x7c: {  	[sflag:s5] =	ssyncset.done $0x0  }
.Ltmp0:
0x7d: {  	s11 =	sadd.s32 $0x5180, s10;
	[sflag:s5] =	ssyncadd.s32 $0xFFFFE0C0;
	(pc) =	sbr.rel @p0 .LBB2_2-.Ltmp0, $4  }
0x7e: {  	[spmem:s2] =	stream.indirect.scatter.add.f32 [tilespmem:s30], [sflag:$0x5], $0x40, s11, s28, $0xb8;
	[tilespmem:$0x1DD00] =	vst v63  }
0x7f: {  	_ =	swait.ge [sflag:s19], $0x1F40  }
0x80: {  	[sflag:s19] =	ssyncset.done $0x0  }
0x81: {  	s10 =	sadd.s32 $0x380, s10;
	[sflag:s19] =	ssyncadd.s32 $0xFFFFE0C0  }
0x82: {  	[tilespmem:s30], [sflag:$0x4] =	stream.indirect.gather [hbm4b:s8+s28], $0x40, s10, s28, $0xb8;
	[tilespmem:$0x1DD00] =	vst v63  }
0x83: {  	_ =	swait.ge [sflag:s0], $0x1F40  }
0x84: {  	[sflag:s0] =	ssyncset.done $0x0  }
0x85: {  	s9 =	simm.s32 $0x9E00;
	[sflag:s0] =	ssyncadd.s32 $0xFFFFE0C0  }
0x86: {  	[spmem:s2] =	stream.indirect.scatter.add.f32 [tilespmem:s29], [sflag:$0x5], $0x40, s9, s28, $0xb8;
	[tilespmem:$0x1DD00] =	vst v63  }
0x87: {  	_ =	swait.ge [sflag:s19], $0x1F40  }
0x88: {  	[sflag:s19] =	ssyncset.done $0x0  }
0x89: {  	[sflag:s19] =	ssyncadd.s32 $0xFFFFE0C0  }
0x8a: {  	_ =	swait.ge [sflag:s25], $0x1F40  }
0x8b: {  	[sflag:s25] =	ssyncset.done $0x0  }
0x8c: {  	s11 =	simm.s32 $0x9E80;
	[sflag:s25] =	ssyncadd.s32 $0xFFFFE0C0  }
0x8d: {  	[spmem:s2] =	stream.indirect.scatter.add.f32 [tilespmem:s31], [sflag:$0x5], $0x40, s11, s28, $0xb8;
	[tilespmem:$0x1DD00] =	vst v63  }
0x8e: {  	_ =	swait.ge [sflag:s19], $0x1F40  }
0x8f: {  	[sflag:s19] =	ssyncset.done $0x0  }
0x90: {  	[sflag:s19] =	ssyncadd.s32 $0xFFFFE0C0  }
0x91: {  	_ =	swait.ge [sflag:s4], $0x1F40  }
0x92: {  	[sflag:s4] =	ssyncset.done $0x0  }
0x93: {  	s10 =	simm.s32 $0x9F00;
	[sflag:s4] =	ssyncadd.s32 $0xFFFFE0C0  }
0x94: {  	[spmem:s2] =	stream.indirect.scatter.add.f32 [tilespmem:s1], [sflag:$0x5], $0x40, s10, s28, $0xb8;
	[tilespmem:$0x1DD00] =	vst v63  }
0x95: {  	_ =	swait.ge [sflag:s19], $0x1F40  }
0x96: {  	[sflag:s19] =	ssyncset.done $0x0  }
0x97: {  	[sflag:s19] =	ssyncadd.s32 $0xFFFFE0C0  }
0x98: {  	_ =	swait.ge [sflag:s5], $0x1F40  }
0x99: {  	[sflag:s5] =	ssyncset.done $0x0  }
0x9a: {  	s11 =	simm.s32 $0x9F80;
	[sflag:s5] =	ssyncadd.s32 $0xFFFFE0C0  }
0x9b: {  	[spmem:s2] =	stream.indirect.scatter.add.f32 [tilespmem:s30], [sflag:$0x5], $0x40, s11, s28, $0xb8;
	[tilespmem:$0x1DD00] =	vst v63  }
0x9c: {  	_ =	swait.ge [sflag:s19], $0x1F40  }
0x9d: {  	[sflag:s19] =	ssyncset.done $0x0  }
0x9e: {  	[sflag:s19] =	ssyncadd.s32 $0xFFFFE0C0  }
0x9f: {  	[bflag:$0x0] =	sbarrier.arrive $0xFFFF  }
0xa0: {  	s10 =	rddreg [dreg:$0x7]  }
0xa1: {  	[tilespmem:s26], [sflag:$0x5] =	stream.linear.gather [spmem:s10], $0x2000, $0x38;
	[tilespmem:$0x1DD00] =	vst v63  }
0xa2: {  	_ =	swait.ge [sflag:s19], $0x2000  }
0xa3: {  	[sflag:s19] =	ssyncset.done $0x0  }
0xa4: {  	[sflag:s19] =	ssyncadd.s32 $0xFFFFE000  }
0xa5: {  	[hbm4b:s20+s3] =	stream.linear.scatter [tilespmem:s26], [sflag:$0x5], $0x2000, $0x38;
	[tilespmem:$0x1DD00] =	vst v63  }
0xa6: {  	_ =	swait.ge [sflag:s19], $0x2000  }
0xa7: {  	[sflag:s19] =	ssyncset.done $0x0  }
0xa8: {  	[sflag:s19] =	ssyncadd.s32 $0xFFFFE000  }
0xa9: {  	[tilespmem:s26], [sflag:$0x5] =	stream.linear.gather [spmem:s15], $0x2000, $0x38;
	[tilespmem:$0x1DD00] =	vst v63  }
0xaa: {  	_ =	swait.ge [sflag:s19], $0x2000  }
0xab: {  	[sflag:s19] =	ssyncset.done $0x0  }
0xac: {  	[sflag:s19] =	ssyncadd.s32 $0xFFFFE000  }
0xad: {  	[hbm4b:s21+s3] =	stream.linear.scatter [tilespmem:s26], [sflag:$0x5], $0x2000, $0x38;
	[tilespmem:$0x1DD00] =	vst v63  }
0xae: {  	_ =	swait.ge [sflag:s19], $0x2000  }
0xaf: {  	[sflag:s19] =	ssyncset.done $0x0  }
0xb0: {  	[sflag:s19] =	ssyncadd.s32 $0xFFFFE000  }
0xb1: {  	[tilespmem:s26], [sflag:$0x5] =	stream.linear.gather [spmem:s16], $0x2000, $0x38;
	[tilespmem:$0x1DD00] =	vst v63  }
0xb2: {  	_ =	swait.ge [sflag:s19], $0x2000  }
0xb3: {  	[sflag:s19] =	ssyncset.done $0x0  }
0xb4: {  	[sflag:s19] =	ssyncadd.s32 $0xFFFFE000  }
0xb5: {  	[hbm4b:s22+s3] =	stream.linear.scatter [tilespmem:s26], [sflag:$0x5], $0x2000, $0x38;
	[tilespmem:$0x1DD00] =	vst v63  }
0xb6: {  	_ =	swait.ge [sflag:s19], $0x2000  }
0xb7: {  	[sflag:s19] =	ssyncset.done $0x0  }
0xb8: {  	[sflag:s19] =	ssyncadd.s32 $0xFFFFE000  }
0xb9: {  	[tilespmem:s26], [sflag:$0x5] =	stream.linear.gather [spmem:s17], $0x2000, $0x38;
	[tilespmem:$0x1DD00] =	vst v63  }
0xba: {  	_ =	swait.ge [sflag:s19], $0x2000  }
0xbb: {  	[sflag:s19] =	ssyncset.done $0x0  }
0xbc: {  	[sflag:s19] =	ssyncadd.s32 $0xFFFFE000  }
0xbd: {  	[hbm4b:s23+s3] =	stream.linear.scatter [tilespmem:s26], [sflag:$0x5], $0x2000, $0x38;
	[tilespmem:$0x1DD00] =	vst v63  }
0xbe: {  	_ =	swait.ge [sflag:s19], $0x2000  }
0xbf: {  	[sflag:s19] =	ssyncset.done $0x0  }
0xc0: {  	[sflag:s19] =	ssyncadd.s32 $0xFFFFE000  }
0xc1: {  	[tilespmem:s26], [sflag:$0x5] =	stream.linear.gather [spmem:s18], $0x2000, $0x38;
	[tilespmem:$0x1DD00] =	vst v63  }
0xc2: {  	_ =	swait.ge [sflag:s19], $0x2000  }
0xc3: {  	[sflag:s19] =	ssyncset.done $0x0  }
0xc4: {  	[sflag:s19] =	ssyncadd.s32 $0xFFFFE000  }
0xc5: {  	[hbm4b:s24+s3] =	stream.linear.scatter [tilespmem:s26], [sflag:$0x5], $0x2000, $0x38;
	[tilespmem:$0x1DD00] =	vst v63  }
0xc6: {  	_ =	swait.ge [sflag:s19], $0x2000  }
0xc7: {  	s6 =	sadd.s32 $0x1, s6;
	s11 =	rddreg [dreg:$0x8]  }
0xc8: {  	p0 =	sne.s32 s6, s11  }
.Ltmp1:
0xc9: {  	_ = 	snop;
	(pc) =	sbr.rel @p0 .LBB2_1-.Ltmp1, $3  }
0xca: {  	_ =	sdelay $0x1  }
0xcb: {  	[sflag:s19] =	ssyncset.done $0x0  }
0xcc: {  	[sflag:s19] =	ssyncadd.s32 $0xFFFFE000  }
0xcd: {  	_ =	sfence.sel $0x180000  }
0xce: {  	[bflag:$0x0] =	sbarrier.arrive $0xFFFF  }
0xcf: {  	_ =	strace $0x9000004A  }
0xd0: {  	s0 =	stileid.u32;
	[bflag:$0x2] =	sbarrier.arrive $0xFFFF  }
0xd1: {  	p0 =	sne.s32 s0, $0x0;
	s0 =	rddreg [dreg:$0x3]  }
0xd2: {  	s0 =	sadd.s32 @!p0 $0x100000, s0  }
0xd3: {  	[sflag:s0] =	ssyncadd.tile.s32 @!p0 $0x1;
	_ =	shalt  }
.Lfunc_end2:
_tile_overlayer_lowered:
.L_overlay_start_2:
0xd4: {  	(tag) =	ssettag $0x2  }
0xd5: {  	s0 =	rddreg [dreg:$0x0];
	s2 =	stileid.u32  }
0xd6: {  	s1 =	rddreg [dreg:$0x1];
	p0 =	sne.s32 s2, $0x0  }
0xd7: {  	s3 =	rddreg [dreg:$0x2];
	[bflag:$0x3] =	sbarrier.arrive $0xFFFF;
	s2 =	simm.s32 @!p0 $0x1C05  }
0xd8: {  	[timem:s3], [sflag:s2] =	dma.local @!p0 [hbm:s0], s1  }
0xd9: {  	s0 =	simm.s32 @!p0 $0x5  }
0xda: {  	_ =	swait.ge @!p0 [sflag:s0], s1  }
0xdb: {  	s1 =	ssub.s32 @!p0 $0x0, s1;
	[sflag:s0] =	ssyncset.done @!p0 $0x0  }
0xdc: {  	[sflag:s0] =	ssyncadd.s32 @!p0 s1  }
0xdd: {  	[bflag:$0x3] =	sbarrier.arrive $0xFFFF  }
0xde: {  	_ =	shalt  }

</sc_bundles>
